<compile_context>
chip_gen: v7x
topology: tpu7x:2x2x1
jax: 0.10.2.dev20260603
libtpu: 0.0.44.dev20260713+nightly
codegen_flags: <defaults>
</compile_context>

<pallas_src>
import functools

import jax
import jax.numpy as jnp
from jax import lax
from jax.experimental import pallas as pl
from jax.experimental.pallas import tpu as pltpu
from jax.experimental.pallas import tpu_sc as plsc

B = 16384
L = 50
V = 100000
D = 200
NT = 16
ND = 7
NDOM = 10000
FPAD = 224

_INFO = plsc.get_sparse_core_info()
_NC = _INFO.num_cores
_NS = _INFO.num_subcores
NW = _NC * _NS
RPW = B // NW
GPW = RPW // 16



def _sc_body(tok_hbm, tokf_hbm, len_hbm, tid_hbm, did_hbm, dom_hbm, hrs_hbm,
             kar_hbm, des_hbm, w2vf_hbm, typet_hbm, dayt_hbm, domt_hbm,
             out_hbm, tok_v, tokf_v, emb_v, out_v, lens_v, tids_v, dids_v,
             doms_v, hrs_v, kar_v, des_v, typet_v, dayt_v, domt_v, row0_v,
             row0u_v, sem):
    wid = lax.axis_index("s") * _NC + lax.axis_index("c")
    base = wid * RPW
    w2v_hbm = w2vf_hbm

    pltpu.sync_copy(len_hbm.at[pl.ds(base, RPW)], lens_v)
    pltpu.sync_copy(tid_hbm.at[pl.ds(base, RPW)], tids_v)
    pltpu.sync_copy(did_hbm.at[pl.ds(base, RPW)], dids_v)
    pltpu.sync_copy(dom_hbm.at[pl.ds(base, RPW)], doms_v)
    pltpu.sync_copy(hrs_hbm.at[pl.ds(base, RPW)], hrs_v)
    pltpu.sync_copy(kar_hbm.at[pl.ds(base, RPW)], kar_v)
    pltpu.sync_copy(des_hbm.at[pl.ds(base, RPW)], des_v)
    pltpu.sync_copy(typet_hbm, typet_v)
    pltpu.sync_copy(dayt_hbm, dayt_v)
    pltpu.sync_copy(domt_hbm, domt_v)
    pltpu.sync_copy(w2v_hbm.at[pl.ds(0, 1), :], row0_v)

    iota16 = lax.iota(jnp.int32, 16)
    f32 = jnp.float32

    def zero_body(i, c):
        out_v[pl.ds(i * 16, 16)] = jnp.zeros((16,), f32)
        return c

    lax.fori_loop(0, 256, zero_body, 0)
    rowpart16 = (iota16 // 8) * 2048 + (iota16 % 8) * 128

    for c in range(7):
        w0 = plsc.bitcast(row0_v[0, pl.ds(16 * c, 16)], jnp.int32)
        row0u_v[pl.ds(32 * c, 16)] = plsc.bitcast(w0 << 16, f32)
        row0u_v[pl.ds(32 * c + 16, 16)] = plsc.bitcast(w0 & -65536, f32)

    def group_body(g, carry):
        gbase = base + g * 16
        off = g * 16
        pltpu.sync_copy(tok_hbm.at[pl.ds(gbase, 16), :], tok_v)
        pltpu.sync_copy(tokf_hbm.at[pl.ds(gbase * L, 16 * L)], tokf_v)
        inv16 = 1.0 / jnp.maximum(
            lens_v[pl.ds(off, 16)].astype(jnp.float32), 1.0)

        pltpu.async_copy(w2v_hbm.at[tok_v.at[0]], emb_v.at[0], sem.at[0])
        pltpu.async_copy(w2v_hbm.at[tok_v.at[1]], emb_v.at[1], sem.at[1])
        pltpu.async_copy(w2v_hbm.at[tok_v.at[2]], emb_v.at[2], sem.at[2])

        def row_body(r, carry2):
            par = lax.rem(r, 4)
            nxt = lax.rem(r + 3, 4)

            @pl.when(r < 13)
            def _():
                pltpu.async_copy(w2v_hbm.at[tok_v.at[r + 3]], emb_v.at[nxt],
                                 sem.at[nxt])

            pltpu.make_async_copy(w2v_hbm.at[tok_v.at[r]], emb_v.at[par],
                                  sem.at[par]).wait()

            def acc_body(j, acc):
                new = []
                for c in range(7):
                    w = plsc.bitcast(emb_v[par, j, pl.ds(16 * c, 16)],
                                     jnp.int32)
                    new.append(acc[2 * c] + plsc.bitcast(w << 16, f32))
                    new.append(acc[2 * c + 1]
                               + plsc.bitcast(w & -65536, f32))
                return tuple(new)

            acc = lax.fori_loop(
                0, L, acc_body,
                tuple(jnp.zeros((16,), f32) for _ in range(14)))

            n0 = jnp.zeros((16,), jnp.int32)
            rsplat = jnp.full((16,), r, jnp.int32)
            for c in range(4):
                colpos = c * 16 + iota16
                colidx = jnp.minimum(colpos, L - 1)
                vals = plsc.load_gather(tokf_v, [rsplat * L + colidx])
                n0 = n0 + plsc.all_reduce_population_count(
                    (vals == 0) & (colpos < L))
            n0f = n0.astype(f32)
            inv = inv16.at[rsplat].get(mode="promise_in_bounds")

            rowoff = (r // 8) * 2048 + lax.rem(r, 8) * 128
            sidx = jnp.full((16,), rowoff, jnp.int32) + 2 * iota16
            for c in range(7):
                va = (acc[2 * c] - n0f * row0u_v[pl.ds(32 * c, 16)]) * inv
                vb = (acc[2 * c + 1]
                      - n0f * row0u_v[pl.ds(32 * c + 16, 16)]) * inv
                dbase = (1024 + 32 * c - 128) if c >= 4 else 32 * c
                plsc.store_scatter(out_v, [sidx + dbase], va)
                plsc.store_scatter(out_v, [sidx + (dbase + 1)], vb)
            return carry2

        lax.fori_loop(0, 16, row_body, 0)

        tid = tids_v[pl.ds(off, 16)]
        did = dids_v[pl.ds(off, 16)]
        dmid = doms_v[pl.ds(off, 16)]
        for c in range(8):
            v = plsc.load_gather(typet_v, [tid * 8 + c])
            plsc.store_scatter(out_v, [rowpart16 + (896 + 200 + c)], v)
        for c in range(3):
            v = plsc.load_gather(dayt_v, [did * 3 + c])
            plsc.store_scatter(out_v, [rowpart16 + (896 + 208 + c)], v)
        for c in range(8):
            v = plsc.load_gather(domt_v, [dmid * 8 + c])
            plsc.store_scatter(out_v, [rowpart16 + (896 + 211 + c)], v)
        plsc.store_scatter(out_v, [rowpart16 + (896 + 219)],
                           hrs_v[pl.ds(off, 16)])
        plsc.store_scatter(out_v, [rowpart16 + (896 + 220)],
                           kar_v[pl.ds(off, 16)])
        plsc.store_scatter(out_v, [rowpart16 + (896 + 221)],
                           des_v[pl.ds(off, 16)])

        pltpu.sync_copy(out_v, out_hbm.at[pl.ds(gbase * 256, 4096)])
        return carry

    lax.fori_loop(0, GPW, group_body, 0)


def _sc_pool(tok, lens, tids, dids, doms, hours, karmas, desc,
             w2v, typet, dayt, domt):
    mesh = plsc.VectorSubcoreMesh(core_axis_name="c", subcore_axis_name="s")
    fn = pl.kernel(
        _sc_body,
        mesh=mesh,
        compiler_params=pltpu.CompilerParams(needs_layout_passes=False,
                                             use_tc_tiling_on_sc=False),
        out_type=jax.ShapeDtypeStruct((B * 256,), jnp.float32),
        scratch_types=[
            pltpu.VMEM((16, L), jnp.int32),
            pltpu.VMEM((16 * L,), jnp.int32),
            pltpu.VMEM((4, L, 128), jnp.float32),
            pltpu.VMEM((4096,), jnp.float32),
            pltpu.VMEM((RPW,), jnp.int32),
            pltpu.VMEM((RPW,), jnp.int32),
            pltpu.VMEM((RPW,), jnp.int32),
            pltpu.VMEM((RPW,), jnp.int32),
            pltpu.VMEM((RPW,), jnp.float32),
            pltpu.VMEM((RPW,), jnp.float32),
            pltpu.VMEM((RPW,), jnp.float32),
            pltpu.VMEM((NT * 8,), jnp.float32),
            pltpu.VMEM((ND * 3,), jnp.float32),
            pltpu.VMEM((NDOM * 8,), jnp.float32),
            pltpu.VMEM((1, 128), jnp.float32),
            pltpu.VMEM((DP,), jnp.float32),
            pltpu.SemaphoreType.DMA((4,)),
        ],
    )
    return fn(tok, tok.reshape(-1), lens, tids, dids, doms, hours, karmas,
              desc, w2v, typet, dayt, domt)


DP = 224
DW = 112


def _tr_body(x_ref, o_ref):
    xt = x_ref[...].T
    n = xt.shape[0]
    xt = jnp.concatenate([xt, jnp.zeros((n, DP - D), jnp.float32)], axis=1)
    i0 = lax.broadcasted_iota(jnp.int32, (DP, DW), 0)
    i1 = lax.broadcasted_iota(jnp.int32, (DP, DW), 1)
    ev = jnp.dot(xt, (i0 == 2 * i1).astype(jnp.float32),
                 preferred_element_type=jnp.float32)
    od = jnp.dot(xt, (i0 == 2 * i1 + 1).astype(jnp.float32),
                 preferred_element_type=jnp.float32)
    ev16 = lax.bitcast_convert_type(ev.astype(jnp.bfloat16), jnp.uint16)
    od16 = lax.bitcast_convert_type(od.astype(jnp.bfloat16), jnp.uint16)
    w = ev16.astype(jnp.uint32) | (od16.astype(jnp.uint32) << 16)
    w = jnp.concatenate([w, jnp.zeros((n, 128 - DW), jnp.uint32)], axis=1)
    o_ref[...] = lax.bitcast_convert_type(w, jnp.float32)


def _tr(w2v_t):
    blk = 2048
    return pl.pallas_call(
        _tr_body,
        grid=((V + blk - 1) // blk,),
        in_specs=[pl.BlockSpec((D, blk), lambda i: (0, i))],
        out_specs=pl.BlockSpec((blk, 128), lambda i: (i, 0)),
        out_shape=jax.ShapeDtypeStruct((V, 128), jnp.float32),
    )(w2v_t)


def _mlp_body(x_ref, w1_ref, b1_ref, w2_ref, b2_ref, o_ref):
    n = x_ref.shape[0]
    h2 = jnp.dot(x_ref[...], w1_ref[...],
                 preferred_element_type=jnp.float32)
    h = h2[0:n - 8, 0:64] + h2[8:n, 64:128]
    h = jnp.maximum(h + b1_ref[...][None, :], 0.0)
    o = jnp.sum(h * w2_ref[...][None, :], axis=1) + b2_ref[...]
    o_ref[...] = jnp.concatenate([o, jnp.zeros((8,), jnp.float32)])


def _mlp(fused_tiles, w1cat, b1, w2row, b2):
    blk = 4096
    return pl.pallas_call(
        _mlp_body,
        grid=(B * 2 // blk,),
        in_specs=[
            pl.BlockSpec((blk, 128), lambda i: (i, 0)),
            pl.BlockSpec((128, 128), lambda i: (0, 0)),
            pl.BlockSpec((64,), lambda i: (0,)),
            pl.BlockSpec((64,), lambda i: (0,)),
            pl.BlockSpec((1,), lambda i: (0,)),
        ],
        out_specs=pl.BlockSpec((blk,), lambda i: (i,)),
        out_shape=jax.ShapeDtypeStruct((B * 2,), jnp.float32),
    )(fused_tiles, w1cat, b1, w2row, b2)


def kernel(title_tokens, lengths, type_ids, day_ids, domain_ids, hours,
           karmas, descendants, w2v_weight, type_table, day_table,
           domain_table, W1, b1, W2, b2):
    tok = title_tokens.astype(jnp.int32)
    w2v_weight = _tr(w2v_weight.T)
    fused = _sc_pool(
        tok, lengths.astype(jnp.int32), type_ids.astype(jnp.int32),
        day_ids.astype(jnp.int32), domain_ids.astype(jnp.int32),
        hours, karmas, descendants, w2v_weight,
        type_table.reshape(-1), day_table.reshape(-1),
        domain_table.reshape(-1)).reshape(B * 2, 128)
    w1t = W1.T
    w1cat = jnp.concatenate(
        [w1t[0:128], jnp.pad(w1t[128:], ((0, 34), (0, 0)))], axis=1)
    out_raw = _mlp(fused, w1cat, b1, W2.reshape(-1), b2)
    return out_raw.reshape(B // 8, 16)[:, 0:8].reshape(-1)

# --- scband reference (transcript-rebuilt; emitter-appended) ---
"""Pipeline reference for scband-fusion-model-5325759447464 (READ-ONLY COPY).

The authoritative reference and input builder live on the scoring server;
editing this copy changes nothing except your own understanding.
"""

import jax, jax.numpy as jnp
import numpy as np

B = 16384
L = 50
V = 100000
D = 200
NT = 16
ND = 7
NDOM = 10000
TYPE_DIM = 8
DAY_DIM = 3
DOM_DIM = 8
H = 64
FUSED = D + TYPE_DIM + DAY_DIM + DOM_DIM + 3


def setup_inputs(seed: int = 0) -> dict:
    key = jax.random.key(seed)
    ks = jax.random.split(key, 16)
    title_tokens = jax.random.randint(ks[0], (B, L), 0, V, dtype=jnp.int64 if jax.config.jax_enable_x64 else jnp.int32)
    lengths = jax.random.randint(ks[1], (B,), 0, L)
    type_ids = jax.random.randint(ks[2], (B,), 0, NT)
    day_ids = jax.random.randint(ks[3], (B,), 0, ND)
    domain_ids = jax.random.randint(ks[4], (B,), 0, NDOM)
    hours = jax.random.normal(ks[5], (B,), dtype=jnp.float32)
    karmas = jax.random.normal(ks[6], (B,), dtype=jnp.float32)
    descendants = jax.random.normal(ks[7], (B,), dtype=jnp.float32)
    w2v_weight = jax.random.normal(ks[8], (V, D), dtype=jnp.float32) * 0.02
    type_table = jax.random.normal(ks[9], (NT, TYPE_DIM), dtype=jnp.float32) * 0.02
    day_table = jax.random.normal(ks[10], (ND, DAY_DIM), dtype=jnp.float32) * 0.02
    domain_table = jax.random.normal(ks[11], (NDOM, DOM_DIM), dtype=jnp.float32) * 0.02
    W1 = jax.random.normal(ks[12], (H, FUSED), dtype=jnp.float32) * 0.05
    b1 = jnp.zeros((H,), dtype=jnp.float32)
    W2 = jax.random.normal(ks[13], (1, H), dtype=jnp.float32) * 0.05
    b2 = jnp.zeros((1,), dtype=jnp.float32)
    return {
        'title_tokens': title_tokens, 'lengths': lengths, 'type_ids': type_ids,
        'day_ids': day_ids, 'domain_ids': domain_ids, 'hours': hours,
        'karmas': karmas, 'descendants': descendants, 'w2v_weight': w2v_weight,
        'type_table': type_table, 'day_table': day_table, 'domain_table': domain_table,
        'W1': W1, 'b1': b1, 'W2': W2, 'b2': b2,
    }


def reference(title_tokens, lengths, type_ids, day_ids, domain_ids, hours, karmas,
              descendants, w2v_weight, type_table, day_table, domain_table, W1, b1, W2, b2):
    # w2v embedding is frozen (torch.no_grad + requires_grad=False)
    emb_tokens = jax.lax.stop_gradient(jnp.take(w2v_weight, title_tokens, axis=0))  # [B, L, D]
    mask = (title_tokens != 0)[..., None].astype(jnp.float32)
    summed = jnp.sum(emb_tokens * mask, axis=1)  # [B, D]
    lens = jnp.clip(lengths, 1, None)[:, None].astype(jnp.float32)
    avg_title_emb = summed / lens
    type_feature = jnp.take(type_table, type_ids, axis=0)
    day_feature = jnp.take(day_table, day_ids, axis=0)
    domain_feature = jnp.take(domain_table, domain_ids, axis=0)
    cont_features = jnp.stack([hours, karmas, descendants], axis=1)
    fused = jnp.concatenate([avg_title_emb, type_feature, day_feature, domain_feature, cont_features], axis=1)
    h = jnp.maximum(fused @ W1.T + b1, 0.0)
    out = h @ W2.T + b2
    return out.squeeze(1)

if __name__ == "__main__":
    import jax
    _d = setup_inputs()
    print(jax.jit(kernel)(*tuple(_d.values())))

</pallas_src>

<mosaic_0001>
#map = affine_map<(d0, d1) -> (0, 0)>
#map1 = affine_map<(d0, d1) -> (0)>
module attributes {stable_mosaic.version = 14 : i64} {
  func.func @_sc_body(%arg0: i32, %arg1: i32, %arg2: memref<16384x50xi32, #tpu.memory_space<hbm>>, %arg3: memref<819200xi32, #tpu.memory_space<hbm>>, %arg4: memref<16384xi32, #tpu.memory_space<hbm>>, %arg5: memref<16384xi32, #tpu.memory_space<hbm>>, %arg6: memref<16384xi32, #tpu.memory_space<hbm>>, %arg7: memref<16384xi32, #tpu.memory_space<hbm>>, %arg8: memref<16384xf32, #tpu.memory_space<hbm>>, %arg9: memref<16384xf32, #tpu.memory_space<hbm>>, %arg10: memref<16384xf32, #tpu.memory_space<hbm>>, %arg11: memref<100000x128xf32, #tpu.memory_space<hbm>>, %arg12: memref<128xf32, #tpu.memory_space<hbm>>, %arg13: memref<21xf32, #tpu.memory_space<hbm>>, %arg14: memref<80000xf32, #tpu.memory_space<hbm>>, %arg15: memref<4194304xf32, #tpu.memory_space<hbm>>, %arg16: memref<16x50xi32, #tpu.memory_space<vmem>>, %arg17: memref<800xi32, #tpu.memory_space<vmem>>, %arg18: memref<4x50x128xf32, #tpu.memory_space<vmem>>, %arg19: memref<4096xf32, #tpu.memory_space<vmem>>, %arg20: memref<512xi32, #tpu.memory_space<vmem>>, %arg21: memref<512xi32, #tpu.memory_space<vmem>>, %arg22: memref<512xi32, #tpu.memory_space<vmem>>, %arg23: memref<512xi32, #tpu.memory_space<vmem>>, %arg24: memref<512xf32, #tpu.memory_space<vmem>>, %arg25: memref<512xf32, #tpu.memory_space<vmem>>, %arg26: memref<512xf32, #tpu.memory_space<vmem>>, %arg27: memref<128xf32, #tpu.memory_space<vmem>>, %arg28: memref<21xf32, #tpu.memory_space<vmem>>, %arg29: memref<80000xf32, #tpu.memory_space<vmem>>, %arg30: memref<1x128xf32, #tpu.memory_space<vmem>>, %arg31: memref<224xf32, #tpu.memory_space<vmem>>, %arg32: memref<4x!tpu.dma_semaphore, #tpu.memory_space<semaphore_mem>>) attributes {dimension_semantics = [#tpu.dimension_semantics<core_parallel>, #tpu.dimension_semantics<subcore_parallel>], iteration_bounds = array<i64: 2, 16>, scalar_prefetch = 0 : i64, scratch_operands = 17 : i64, tpu.core_type = #tpu.core_type<sc_vector_subcore>, window_params = [{transform_indices = #map}, {transform_indices = #map1}, {transform_indices = #map1}, {transform_indices = #map1}, {transform_indices = #map1}, {transform_indices = #map1}, {transform_indices = #map1}, {transform_indices = #map1}, {transform_indices = #map1}, {transform_indices = #map}, {transform_indices = #map1}, {transform_indices = #map1}, {transform_indices = #map1}, {transform_indices = #map1}]} {
    %mul3A = arith.constant 2 : i32
    %mul3A_0 = arith.muli %arg1, %mul3A : i32
    %add3A = arith.addi %mul3A_0, %arg0 : i32
    %mul3A_1 = arith.constant 512 : i32
    %mul3A_2 = arith.muli %add3A, %mul3A_1 : i32
    "tpu.region"() ({
      %run_scoped3A = tpu.sem_alloc : memref<!tpu.dma_semaphore, #tpu.memory_space<semaphore_mem>>
      %dma_start3A = tpu.memref_slice %arg4[%mul3A_2] : memref<16384xi32, #tpu.memory_space<hbm>> -> memref<512xi32, #tpu.memory_space<hbm>>
      %dma_start3A_179 = tpu.memref_slice %arg4[%mul3A_2] : memref<16384xi32, #tpu.memory_space<hbm>> -> memref<512xi32, #tpu.memory_space<hbm>>
      tpu.enqueue_dma source(%dma_start3A_179 : memref<512xi32, #tpu.memory_space<hbm>>) target(%arg20 : memref<512xi32, #tpu.memory_space<vmem>>) target_semaphore(%run_scoped3A : memref<!tpu.dma_semaphore, #tpu.memory_space<semaphore_mem>>)
      %dma_wait3A = tpu.memref_slice %arg4[%mul3A_2] : memref<16384xi32, #tpu.memory_space<hbm>> -> memref<512xi32, #tpu.memory_space<hbm>>
      %dma_wait3A_180 = tpu.memref_slice %arg4[%mul3A_2] : memref<16384xi32, #tpu.memory_space<hbm>> -> memref<512xi32, #tpu.memory_space<hbm>>
      tpu.wait_dma2 semaphore(%run_scoped3A : memref<!tpu.dma_semaphore, #tpu.memory_space<semaphore_mem>>) src(%dma_wait3A_180 : memref<512xi32, #tpu.memory_space<hbm>>) dst(%arg20 : memref<512xi32, #tpu.memory_space<vmem>>)
      tpu.yield
    }) : () -> ()
    "tpu.region"() ({
      %run_scoped3A = tpu.sem_alloc : memref<!tpu.dma_semaphore, #tpu.memory_space<semaphore_mem>>
      %dma_start3A = tpu.memref_slice %arg5[%mul3A_2] : memref<16384xi32, #tpu.memory_space<hbm>> -> memref<512xi32, #tpu.memory_space<hbm>>
      %dma_start3A_179 = tpu.memref_slice %arg5[%mul3A_2] : memref<16384xi32, #tpu.memory_space<hbm>> -> memref<512xi32, #tpu.memory_space<hbm>>
      tpu.enqueue_dma source(%dma_start3A_179 : memref<512xi32, #tpu.memory_space<hbm>>) target(%arg21 : memref<512xi32, #tpu.memory_space<vmem>>) target_semaphore(%run_scoped3A : memref<!tpu.dma_semaphore, #tpu.memory_space<semaphore_mem>>)
      %dma_wait3A = tpu.memref_slice %arg5[%mul3A_2] : memref<16384xi32, #tpu.memory_space<hbm>> -> memref<512xi32, #tpu.memory_space<hbm>>
      %dma_wait3A_180 = tpu.memref_slice %arg5[%mul3A_2] : memref<16384xi32, #tpu.memory_space<hbm>> -> memref<512xi32, #tpu.memory_space<hbm>>
      tpu.wait_dma2 semaphore(%run_scoped3A : memref<!tpu.dma_semaphore, #tpu.memory_space<semaphore_mem>>) src(%dma_wait3A_180 : memref<512xi32, #tpu.memory_space<hbm>>) dst(%arg21 : memref<512xi32, #tpu.memory_space<vmem>>)
      tpu.yield
    }) : () -> ()
    "tpu.region"() ({
      %run_scoped3A = tpu.sem_alloc : memref<!tpu.dma_semaphore, #tpu.memory_space<semaphore_mem>>
      %dma_start3A = tpu.memref_slice %arg6[%mul3A_2] : memref<16384xi32, #tpu.memory_space<hbm>> -> memref<512xi32, #tpu.memory_space<hbm>>
      %dma_start3A_179 = tpu.memref_slice %arg6[%mul3A_2] : memref<16384xi32, #tpu.memory_space<hbm>> -> memref<512xi32, #tpu.memory_space<hbm>>
      tpu.enqueue_dma source(%dma_start3A_179 : memref<512xi32, #tpu.memory_space<hbm>>) target(%arg22 : memref<512xi32, #tpu.memory_space<vmem>>) target_semaphore(%run_scoped3A : memref<!tpu.dma_semaphore, #tpu.memory_space<semaphore_mem>>)
      %dma_wait3A = tpu.memref_slice %arg6[%mul3A_2] : memref<16384xi32, #tpu.memory_space<hbm>> -> memref<512xi32, #tpu.memory_space<hbm>>
      %dma_wait3A_180 = tpu.memref_slice %arg6[%mul3A_2] : memref<16384xi32, #tpu.memory_space<hbm>> -> memref<512xi32, #tpu.memory_space<hbm>>
      tpu.wait_dma2 semaphore(%run_scoped3A : memref<!tpu.dma_semaphore, #tpu.memory_space<semaphore_mem>>) src(%dma_wait3A_180 : memref<512xi32, #tpu.memory_space<hbm>>) dst(%arg22 : memref<512xi32, #tpu.memory_space<vmem>>)
      tpu.yield
    }) : () -> ()
    "tpu.region"() ({
      %run_scoped3A = tpu.sem_alloc : memref<!tpu.dma_semaphore, #tpu.memory_space<semaphore_mem>>
      %dma_start3A = tpu.memref_slice %arg7[%mul3A_2] : memref<16384xi32, #tpu.memory_space<hbm>> -> memref<512xi32, #tpu.memory_space<hbm>>
      %dma_start3A_179 = tpu.memref_slice %arg7[%mul3A_2] : memref<16384xi32, #tpu.memory_space<hbm>> -> memref<512xi32, #tpu.memory_space<hbm>>
      tpu.enqueue_dma source(%dma_start3A_179 : memref<512xi32, #tpu.memory_space<hbm>>) target(%arg23 : memref<512xi32, #tpu.memory_space<vmem>>) target_semaphore(%run_scoped3A : memref<!tpu.dma_semaphore, #tpu.memory_space<semaphore_mem>>)
      %dma_wait3A = tpu.memref_slice %arg7[%mul3A_2] : memref<16384xi32, #tpu.memory_space<hbm>> -> memref<512xi32, #tpu.memory_space<hbm>>
      %dma_wait3A_180 = tpu.memref_slice %arg7[%mul3A_2] : memref<16384xi32, #tpu.memory_space<hbm>> -> memref<512xi32, #tpu.memory_space<hbm>>
      tpu.wait_dma2 semaphore(%run_scoped3A : memref<!tpu.dma_semaphore, #tpu.memory_space<semaphore_mem>>) src(%dma_wait3A_180 : memref<512xi32, #tpu.memory_space<hbm>>) dst(%arg23 : memref<512xi32, #tpu.memory_space<vmem>>)
      tpu.yield
    }) : () -> ()
    "tpu.region"() ({
      %run_scoped3A = tpu.sem_alloc : memref<!tpu.dma_semaphore, #tpu.memory_space<semaphore_mem>>
      %dma_start3A = tpu.memref_slice %arg8[%mul3A_2] : memref<16384xf32, #tpu.memory_space<hbm>> -> memref<512xf32, #tpu.memory_space<hbm>>
      %dma_start3A_179 = tpu.memref_slice %arg8[%mul3A_2] : memref<16384xf32, #tpu.memory_space<hbm>> -> memref<512xf32, #tpu.memory_space<hbm>>
      tpu.enqueue_dma source(%dma_start3A_179 : memref<512xf32, #tpu.memory_space<hbm>>) target(%arg24 : memref<512xf32, #tpu.memory_space<vmem>>) target_semaphore(%run_scoped3A : memref<!tpu.dma_semaphore, #tpu.memory_space<semaphore_mem>>)
      %dma_wait3A = tpu.memref_slice %arg8[%mul3A_2] : memref<16384xf32, #tpu.memory_space<hbm>> -> memref<512xf32, #tpu.memory_space<hbm>>
      %dma_wait3A_180 = tpu.memref_slice %arg8[%mul3A_2] : memref<16384xf32, #tpu.memory_space<hbm>> -> memref<512xf32, #tpu.memory_space<hbm>>
      tpu.wait_dma2 semaphore(%run_scoped3A : memref<!tpu.dma_semaphore, #tpu.memory_space<semaphore_mem>>) src(%dma_wait3A_180 : memref<512xf32, #tpu.memory_space<hbm>>) dst(%arg24 : memref<512xf32, #tpu.memory_space<vmem>>)
      tpu.yield
    }) : () -> ()
    "tpu.region"() ({
      %run_scoped3A = tpu.sem_alloc : memref<!tpu.dma_semaphore, #tpu.memory_space<semaphore_mem>>
      %dma_start3A = tpu.memref_slice %arg9[%mul3A_2] : memref<16384xf32, #tpu.memory_space<hbm>> -> memref<512xf32, #tpu.memory_space<hbm>>
      %dma_start3A_179 = tpu.memref_slice %arg9[%mul3A_2] : memref<16384xf32, #tpu.memory_space<hbm>> -> memref<512xf32, #tpu.memory_space<hbm>>
      tpu.enqueue_dma source(%dma_start3A_179 : memref<512xf32, #tpu.memory_space<hbm>>) target(%arg25 : memref<512xf32, #tpu.memory_space<vmem>>) target_semaphore(%run_scoped3A : memref<!tpu.dma_semaphore, #tpu.memory_space<semaphore_mem>>)
      %dma_wait3A = tpu.memref_slice %arg9[%mul3A_2] : memref<16384xf32, #tpu.memory_space<hbm>> -> memref<512xf32, #tpu.memory_space<hbm>>
      %dma_wait3A_180 = tpu.memref_slice %arg9[%mul3A_2] : memref<16384xf32, #tpu.memory_space<hbm>> -> memref<512xf32, #tpu.memory_space<hbm>>
      tpu.wait_dma2 semaphore(%run_scoped3A : memref<!tpu.dma_semaphore, #tpu.memory_space<semaphore_mem>>) src(%dma_wait3A_180 : memref<512xf32, #tpu.memory_space<hbm>>) dst(%arg25 : memref<512xf32, #tpu.memory_space<vmem>>)
      tpu.yield
    }) : () -> ()
    "tpu.region"() ({
      %run_scoped3A = tpu.sem_alloc : memref<!tpu.dma_semaphore, #tpu.memory_space<semaphore_mem>>
      %dma_start3A = tpu.memref_slice %arg10[%mul3A_2] : memref<16384xf32, #tpu.memory_space<hbm>> -> memref<512xf32, #tpu.memory_space<hbm>>
      %dma_start3A_179 = tpu.memref_slice %arg10[%mul3A_2] : memref<16384xf32, #tpu.memory_space<hbm>> -> memref<512xf32, #tpu.memory_space<hbm>>
      tpu.enqueue_dma source(%dma_start3A_179 : memref<512xf32, #tpu.memory_space<hbm>>) target(%arg26 : memref<512xf32, #tpu.memory_space<vmem>>) target_semaphore(%run_scoped3A : memref<!tpu.dma_semaphore, #tpu.memory_space<semaphore_mem>>)
      %dma_wait3A = tpu.memref_slice %arg10[%mul3A_2] : memref<16384xf32, #tpu.memory_space<hbm>> -> memref<512xf32, #tpu.memory_space<hbm>>
      %dma_wait3A_180 = tpu.memref_slice %arg10[%mul3A_2] : memref<16384xf32, #tpu.memory_space<hbm>> -> memref<512xf32, #tpu.memory_space<hbm>>
      tpu.wait_dma2 semaphore(%run_scoped3A : memref<!tpu.dma_semaphore, #tpu.memory_space<semaphore_mem>>) src(%dma_wait3A_180 : memref<512xf32, #tpu.memory_space<hbm>>) dst(%arg26 : memref<512xf32, #tpu.memory_space<vmem>>)
      tpu.yield
    }) : () -> ()
    "tpu.region"() ({
      %run_scoped3A = tpu.sem_alloc : memref<!tpu.dma_semaphore, #tpu.memory_space<semaphore_mem>>
      tpu.enqueue_dma source(%arg12 : memref<128xf32, #tpu.memory_space<hbm>>) target(%arg27 : memref<128xf32, #tpu.memory_space<vmem>>) target_semaphore(%run_scoped3A : memref<!tpu.dma_semaphore, #tpu.memory_space<semaphore_mem>>)
      tpu.wait_dma2 semaphore(%run_scoped3A : memref<!tpu.dma_semaphore, #tpu.memory_space<semaphore_mem>>) src(%arg12 : memref<128xf32, #tpu.memory_space<hbm>>) dst(%arg27 : memref<128xf32, #tpu.memory_space<vmem>>)
      tpu.yield
    }) : () -> ()
    "tpu.region"() ({
      %run_scoped3A = tpu.sem_alloc : memref<!tpu.dma_semaphore, #tpu.memory_space<semaphore_mem>>
      tpu.enqueue_dma source(%arg13 : memref<21xf32, #tpu.memory_space<hbm>>) target(%arg28 : memref<21xf32, #tpu.memory_space<vmem>>) target_semaphore(%run_scoped3A : memref<!tpu.dma_semaphore, #tpu.memory_space<semaphore_mem>>)
      tpu.wait_dma2 semaphore(%run_scoped3A : memref<!tpu.dma_semaphore, #tpu.memory_space<semaphore_mem>>) src(%arg13 : memref<21xf32, #tpu.memory_space<hbm>>) dst(%arg28 : memref<21xf32, #tpu.memory_space<vmem>>)
      tpu.yield
    }) : () -> ()
    "tpu.region"() ({
      %run_scoped3A = tpu.sem_alloc : memref<!tpu.dma_semaphore, #tpu.memory_space<semaphore_mem>>
      tpu.enqueue_dma source(%arg14 : memref<80000xf32, #tpu.memory_space<hbm>>) target(%arg29 : memref<80000xf32, #tpu.memory_space<vmem>>) target_semaphore(%run_scoped3A : memref<!tpu.dma_semaphore, #tpu.memory_space<semaphore_mem>>)
      tpu.wait_dma2 semaphore(%run_scoped3A : memref<!tpu.dma_semaphore, #tpu.memory_space<semaphore_mem>>) src(%arg14 : memref<80000xf32, #tpu.memory_space<hbm>>) dst(%arg29 : memref<80000xf32, #tpu.memory_space<vmem>>)
      tpu.yield
    }) : () -> ()
    "tpu.region"() ({
      %run_scoped3A = tpu.sem_alloc : memref<!tpu.dma_semaphore, #tpu.memory_space<semaphore_mem>>
      %dma_start3A = arith.constant 0 : i32
      %dma_start3A_179 = arith.constant 0 : i32
      %dma_start3A_180 = tpu.memref_slice %arg11[%dma_start3A, %dma_start3A_179] : memref<100000x128xf32, #tpu.memory_space<hbm>> -> memref<1x128xf32, #tpu.memory_space<hbm>>
      %dma_start3A_181 = arith.constant 0 : i32
      %dma_start3A_182 = arith.constant 0 : i32
      %dma_start3A_183 = tpu.memref_slice %arg11[%dma_start3A_181, %dma_start3A_182] : memref<100000x128xf32, #tpu.memory_space<hbm>> -> memref<1x128xf32, #tpu.memory_space<hbm>>
      tpu.enqueue_dma source(%dma_start3A_183 : memref<1x128xf32, #tpu.memory_space<hbm>>) target(%arg30 : memref<1x128xf32, #tpu.memory_space<vmem>>) target_semaphore(%run_scoped3A : memref<!tpu.dma_semaphore, #tpu.memory_space<semaphore_mem>>)
      %dma_wait3A = arith.constant 0 : i32
      %dma_wait3A_184 = arith.constant 0 : i32
      %dma_wait3A_185 = tpu.memref_slice %arg11[%dma_wait3A, %dma_wait3A_184] : memref<100000x128xf32, #tpu.memory_space<hbm>> -> memref<1x128xf32, #tpu.memory_space<hbm>>
      %dma_wait3A_186 = arith.constant 0 : i32
      %dma_wait3A_187 = arith.constant 0 : i32
      %dma_wait3A_188 = tpu.memref_slice %arg11[%dma_wait3A_186, %dma_wait3A_187] : memref<100000x128xf32, #tpu.memory_space<hbm>> -> memref<1x128xf32, #tpu.memory_space<hbm>>
      tpu.wait_dma2 semaphore(%run_scoped3A : memref<!tpu.dma_semaphore, #tpu.memory_space<semaphore_mem>>) src(%dma_wait3A_188 : memref<1x128xf32, #tpu.memory_space<hbm>>) dst(%arg30 : memref<1x128xf32, #tpu.memory_space<vmem>>)
      tpu.yield
    }) : () -> ()
    %iota3A = tpu.iota {dimensions = array<i32: 0>} : vector<16xi32>
    %scan3A = arith.constant 0 : i32
    %scan3A_3 = arith.constant 0 : i32
    %scan3A_4 = arith.constant 256 : i32
    %scan3A_5 = arith.addi %scan3A_3, %scan3A_4 : i32
    %scan3A_6 = arith.constant 1 : i32
    scf.for %scan3A_179 = %scan3A_3 to %scan3A_5 step %scan3A_6  : i32 {
      %broadcast_in_dim3A = arith.constant 0.000000e+00 : f32
      %broadcast_in_dim3A_180 = vector.broadcast %broadcast_in_dim3A : f32 to vector<16xf32>
      %mul3A_181 = arith.constant 16 : i32
      %mul3A_182 = arith.muli %scan3A_179, %mul3A_181 : i32
      %swap3A_183 = arith.index_cast %mul3A_182 : i32 to index
      %swap3A_184 = tpu.vector_load %arg19[%swap3A_183] {strides = array<i32>} : memref<4096xf32, #tpu.memory_space<vmem>>, vector<16xf32>,
      tpu.vector_store %arg19[%swap3A_183], %broadcast_in_dim3A_180 {strides = array<i32>} : memref<4096xf32, #tpu.memory_space<vmem>>, vector<16xf32>,
    }
    %scan3A_7 = arith.constant 256 : i32
    %jit3A = arith.constant 8 : i32
    %div3A = vector.broadcast %jit3A : i32 to vector<16xi32>
    %div3A_8 = arith.divsi %iota3A, %div3A : vector<16xi32>
    %sign3A = arith.constant 0 : i32
    %sign3A_9 = vector.broadcast %sign3A : i32 to vector<16xi32>
    %sign3A_10 = arith.cmpi sgt, %iota3A, %sign3A_9 : vector<16xi32>
    %sign3A_11 = arith.extui %sign3A_10 : vector<16xi1> to vector<16xi32>
    %sign3A_12 = arith.constant 0 : i32
    %sign3A_13 = vector.broadcast %sign3A_12 : i32 to vector<16xi32>
    %sign3A_14 = arith.cmpi slt, %iota3A, %sign3A_13 : vector<16xi32>
    %sign3A_15 = arith.extui %sign3A_14 : vector<16xi1> to vector<16xi32>
    %sign3A_16 = arith.subi %sign3A_11, %sign3A_15 : vector<16xi32>
    %sign3A_17 = arith.constant 0 : i32
    %sign3A_18 = arith.cmpi sgt, %jit3A, %sign3A_17 : i32
    %sign3A_19 = arith.extui %sign3A_18 : i1 to i32
    %sign3A_20 = arith.constant 0 : i32
    %sign3A_21 = arith.cmpi slt, %jit3A, %sign3A_20 : i32
    %sign3A_22 = arith.extui %sign3A_21 : i1 to i32
    %sign3A_23 = arith.subi %sign3A_19, %sign3A_22 : i32
    %ne3A = vector.broadcast %sign3A_23 : i32 to vector<16xi32>
    %ne3A_24 = arith.cmpi ne, %sign3A_16, %ne3A : vector<16xi32>
    %rem3A = vector.broadcast %jit3A : i32 to vector<16xi32>
    %rem3A_25 = arith.remsi %iota3A, %rem3A : vector<16xi32>
    %ne3A_26 = arith.constant 0 : i32
    %ne3A_27 = vector.broadcast %ne3A_26 : i32 to vector<16xi32>
    %ne3A_28 = arith.cmpi ne, %rem3A_25, %ne3A_27 : vector<16xi32>
    %and3A = arith.andi %ne3A_24, %ne3A_28 : vector<16xi1>
    %sub3A = arith.constant 1 : i32
    %sub3A_29 = vector.broadcast %sub3A : i32 to vector<16xi32>
    %sub3A_30 = arith.subi %div3A_8, %sub3A_29 : vector<16xi32>
    %select_n3A = arith.select %and3A, %sub3A_30, %div3A_8 : vector<16xi1>, vector<16xi32>
    %mul3A_31 = arith.constant 2048 : i32
    %mul3A_32 = vector.broadcast %mul3A_31 : i32 to vector<16xi32>
    %mul3A_33 = arith.muli %select_n3A, %mul3A_32 : vector<16xi32>
    %jit3A_34 = arith.constant 8 : i32
    %eq3A = arith.constant 0 : i32
    %eq3A_35 = arith.cmpi eq, %jit3A_34, %eq3A : i32
    %jit3A_36 = arith.constant 1 : i32
    %select_n3A_37 = arith.select %eq3A_35, %jit3A_36, %jit3A_34 : i32
    %rem3A_38 = vector.broadcast %select_n3A_37 : i32 to vector<16xi32>
    %rem3A_39 = arith.remsi %iota3A, %rem3A_38 : vector<16xi32>
    %ne3A_40 = arith.constant 0 : i32
    %ne3A_41 = vector.broadcast %ne3A_40 : i32 to vector<16xi32>
    %ne3A_42 = arith.cmpi ne, %rem3A_39, %ne3A_41 : vector<16xi32>
    %lt3A = arith.constant 0 : i32
    %lt3A_43 = vector.broadcast %lt3A : i32 to vector<16xi32>
    %lt3A_44 = arith.cmpi slt, %rem3A_39, %lt3A_43 : vector<16xi32>
    %lt3A_45 = arith.constant 0 : i32
    %lt3A_46 = arith.cmpi slt, %select_n3A_37, %lt3A_45 : i32
    %ne3A_47 = vector.broadcast %lt3A_46 : i1 to vector<16xi1>
    %ne3A_48 = vector.broadcast %ne3A_47 : vector<16xi1> to vector<16xi1>
    %ne3A_49 = arith.xori %lt3A_44, %ne3A_48 : vector<16xi1>
    %and3A_50 = arith.andi %ne3A_49, %ne3A_42 : vector<16xi1>
    %add3A_51 = vector.broadcast %select_n3A_37 : i32 to vector<16xi32>
    %add3A_52 = arith.addi %rem3A_39, %add3A_51 : vector<16xi32>
    %select_n3A_53 = arith.select %and3A_50, %add3A_52, %rem3A_39 : vector<16xi1>, vector<16xi32>
    %mul3A_54 = arith.constant 128 : i32
    %mul3A_55 = vector.broadcast %mul3A_54 : i32 to vector<16xi32>
    %mul3A_56 = arith.muli %select_n3A_53, %mul3A_55 : vector<16xi32>
    %add3A_57 = arith.addi %mul3A_33, %mul3A_56 : vector<16xi32>
    %get3A = arith.constant 0 : i32
    %get3A_58 = arith.index_cast %get3A : i32 to index
    %get3A_59 = arith.constant 0 : index
    %get3A_60 = tpu.vector_load %arg30[%get3A_58, %get3A_59] {strides = array<i32>} : memref<1x128xf32, #tpu.memory_space<vmem>>, vector<16xf32>,
    %bitcast3A = vector.bitcast %get3A_60 : vector<16xf32> to vector<16xi32>
    %shift_left3A = arith.constant 16 : i32
    %shift_left3A_61 = vector.broadcast %shift_left3A : i32 to vector<16xi32>
    %shift_left3A_62 = arith.shli %bitcast3A, %shift_left3A_61 : vector<16xi32>
    %bitcast3A_63 = vector.bitcast %shift_left3A_62 : vector<16xi32> to vector<16xf32>
    %swap3A = arith.constant 0 : index
    %swap3A_64 = tpu.vector_load %arg31[%swap3A] {strides = array<i32>} : memref<224xf32, #tpu.memory_space<vmem>>, vector<16xf32>,
    tpu.vector_store %arg31[%swap3A], %bitcast3A_63 {strides = array<i32>} : memref<224xf32, #tpu.memory_space<vmem>>, vector<16xf32>,
    %and3A_65 = arith.constant -65536 : i32
    %and3A_66 = vector.broadcast %and3A_65 : i32 to vector<16xi32>
    %and3A_67 = arith.andi %bitcast3A, %and3A_66 : vector<16xi32>
    %bitcast3A_68 = vector.bitcast %and3A_67 : vector<16xi32> to vector<16xf32>
    %swap3A_69 = arith.constant 16 : index
    %swap3A_70 = tpu.vector_load %arg31[%swap3A_69] {strides = array<i32>} : memref<224xf32, #tpu.memory_space<vmem>>, vector<16xf32>,
    tpu.vector_store %arg31[%swap3A_69], %bitcast3A_68 {strides = array<i32>} : memref<224xf32, #tpu.memory_space<vmem>>, vector<16xf32>,
    %get3A_71 = arith.constant 0 : i32
    %get3A_72 = arith.index_cast %get3A_71 : i32 to index
    %get3A_73 = arith.constant 16 : index
    %get3A_74 = tpu.vector_load %arg30[%get3A_72, %get3A_73] {strides = array<i32>} : memref<1x128xf32, #tpu.memory_space<vmem>>, vector<16xf32>,
    %bitcast3A_75 = vector.bitcast %get3A_74 : vector<16xf32> to vector<16xi32>
    %shift_left3A_76 = arith.constant 16 : i32
    %shift_left3A_77 = vector.broadcast %shift_left3A_76 : i32 to vector<16xi32>
    %shift_left3A_78 = arith.shli %bitcast3A_75, %shift_left3A_77 : vector<16xi32>
    %bitcast3A_79 = vector.bitcast %shift_left3A_78 : vector<16xi32> to vector<16xf32>
    %swap3A_80 = arith.constant 32 : index
    %swap3A_81 = tpu.vector_load %arg31[%swap3A_80] {strides = array<i32>} : memref<224xf32, #tpu.memory_space<vmem>>, vector<16xf32>,
    tpu.vector_store %arg31[%swap3A_80], %bitcast3A_79 {strides = array<i32>} : memref<224xf32, #tpu.memory_space<vmem>>, vector<16xf32>,
    %and3A_82 = arith.constant -65536 : i32
    %and3A_83 = vector.broadcast %and3A_82 : i32 to vector<16xi32>
    %and3A_84 = arith.andi %bitcast3A_75, %and3A_83 : vector<16xi32>
    %bitcast3A_85 = vector.bitcast %and3A_84 : vector<16xi32> to vector<16xf32>
    %swap3A_86 = arith.constant 48 : index
    %swap3A_87 = tpu.vector_load %arg31[%swap3A_86] {strides = array<i32>} : memref<224xf32, #tpu.memory_space<vmem>>, vector<16xf32>,
    tpu.vector_store %arg31[%swap3A_86], %bitcast3A_85 {strides = array<i32>} : memref<224xf32, #tpu.memory_space<vmem>>, vector<16xf32>,
    %get3A_88 = arith.constant 0 : i32
    %get3A_89 = arith.index_cast %get3A_88 : i32 to index
    %get3A_90 = arith.constant 32 : index
    %get3A_91 = tpu.vector_load %arg30[%get3A_89, %get3A_90] {strides = array<i32>} : memref<1x128xf32, #tpu.memory_space<vmem>>, vector<16xf32>,
    %bitcast3A_92 = vector.bitcast %get3A_91 : vector<16xf32> to vector<16xi32>
    %shift_left3A_93 = arith.constant 16 : i32
    %shift_left3A_94 = vector.broadcast %shift_left3A_93 : i32 to vector<16xi32>
    %shift_left3A_95 = arith.shli %bitcast3A_92, %shift_left3A_94 : vector<16xi32>
    %bitcast3A_96 = vector.bitcast %shift_left3A_95 : vector<16xi32> to vector<16xf32>
    %swap3A_97 = arith.constant 64 : index
    %swap3A_98 = tpu.vector_load %arg31[%swap3A_97] {strides = array<i32>} : memref<224xf32, #tpu.memory_space<vmem>>, vector<16xf32>,
    tpu.vector_store %arg31[%swap3A_97], %bitcast3A_96 {strides = array<i32>} : memref<224xf32, #tpu.memory_space<vmem>>, vector<16xf32>,
    %and3A_99 = arith.constant -65536 : i32
    %and3A_100 = vector.broadcast %and3A_99 : i32 to vector<16xi32>
    %and3A_101 = arith.andi %bitcast3A_92, %and3A_100 : vector<16xi32>
    %bitcast3A_102 = vector.bitcast %and3A_101 : vector<16xi32> to vector<16xf32>
    %swap3A_103 = arith.constant 80 : index
    %swap3A_104 = tpu.vector_load %arg31[%swap3A_103] {strides = array<i32>} : memref<224xf32, #tpu.memory_space<vmem>>, vector<16xf32>,
    tpu.vector_store %arg31[%swap3A_103], %bitcast3A_102 {strides = array<i32>} : memref<224xf32, #tpu.memory_space<vmem>>, vector<16xf32>,
    %get3A_105 = arith.constant 0 : i32
    %get3A_106 = arith.index_cast %get3A_105 : i32 to index
    %get3A_107 = arith.constant 48 : index
    %get3A_108 = tpu.vector_load %arg30[%get3A_106, %get3A_107] {strides = array<i32>} : memref<1x128xf32, #tpu.memory_space<vmem>>, vector<16xf32>,
    %bitcast3A_109 = vector.bitcast %get3A_108 : vector<16xf32> to vector<16xi32>
    %shift_left3A_110 = arith.constant 16 : i32
    %shift_left3A_111 = vector.broadcast %shift_left3A_110 : i32 to vector<16xi32>
    %shift_left3A_112 = arith.shli %bitcast3A_109, %shift_left3A_111 : vector<16xi32>
    %bitcast3A_113 = vector.bitcast %shift_left3A_112 : vector<16xi32> to vector<16xf32>
    %swap3A_114 = arith.constant 96 : index
    %swap3A_115 = tpu.vector_load %arg31[%swap3A_114] {strides = array<i32>} : memref<224xf32, #tpu.memory_space<vmem>>, vector<16xf32>,
    tpu.vector_store %arg31[%swap3A_114], %bitcast3A_113 {strides = array<i32>} : memref<224xf32, #tpu.memory_space<vmem>>, vector<16xf32>,
    %and3A_116 = arith.constant -65536 : i32
    %and3A_117 = vector.broadcast %and3A_116 : i32 to vector<16xi32>
    %and3A_118 = arith.andi %bitcast3A_109, %and3A_117 : vector<16xi32>
    %bitcast3A_119 = vector.bitcast %and3A_118 : vector<16xi32> to vector<16xf32>
    %swap3A_120 = arith.constant 112 : index
    %swap3A_121 = tpu.vector_load %arg31[%swap3A_120] {strides = array<i32>} : memref<224xf32, #tpu.memory_space<vmem>>, vector<16xf32>,
    tpu.vector_store %arg31[%swap3A_120], %bitcast3A_119 {strides = array<i32>} : memref<224xf32, #tpu.memory_space<vmem>>, vector<16xf32>,
    %get3A_122 = arith.constant 0 : i32
    %get3A_123 = arith.index_cast %get3A_122 : i32 to index
    %get3A_124 = arith.constant 64 : index
    %get3A_125 = tpu.vector_load %arg30[%get3A_123, %get3A_124] {strides = array<i32>} : memref<1x128xf32, #tpu.memory_space<vmem>>, vector<16xf32>,
    %bitcast3A_126 = vector.bitcast %get3A_125 : vector<16xf32> to vector<16xi32>
    %shift_left3A_127 = arith.constant 16 : i32
    %shift_left3A_128 = vector.broadcast %shift_left3A_127 : i32 to vector<16xi32>
    %shift_left3A_129 = arith.shli %bitcast3A_126, %shift_left3A_128 : vector<16xi32>
    %bitcast3A_130 = vector.bitcast %shift_left3A_129 : vector<16xi32> to vector<16xf32>
    %swap3A_131 = arith.constant 128 : index
    %swap3A_132 = tpu.vector_load %arg31[%swap3A_131] {strides = array<i32>} : memref<224xf32, #tpu.memory_space<vmem>>, vector<16xf32>,
    tpu.vector_store %arg31[%swap3A_131], %bitcast3A_130 {strides = array<i32>} : memref<224xf32, #tpu.memory_space<vmem>>, vector<16xf32>,
    %and3A_133 = arith.constant -65536 : i32
    %and3A_134 = vector.broadcast %and3A_133 : i32 to vector<16xi32>
    %and3A_135 = arith.andi %bitcast3A_126, %and3A_134 : vector<16xi32>
    %bitcast3A_136 = vector.bitcast %and3A_135 : vector<16xi32> to vector<16xf32>
    %swap3A_137 = arith.constant 144 : index
    %swap3A_138 = tpu.vector_load %arg31[%swap3A_137] {strides = array<i32>} : memref<224xf32, #tpu.memory_space<vmem>>, vector<16xf32>,
    tpu.vector_store %arg31[%swap3A_137], %bitcast3A_136 {strides = array<i32>} : memref<224xf32, #tpu.memory_space<vmem>>, vector<16xf32>,
    %get3A_139 = arith.constant 0 : i32
    %get3A_140 = arith.index_cast %get3A_139 : i32 to index
    %get3A_141 = arith.constant 80 : index
    %get3A_142 = tpu.vector_load %arg30[%get3A_140, %get3A_141] {strides = array<i32>} : memref<1x128xf32, #tpu.memory_space<vmem>>, vector<16xf32>,
    %bitcast3A_143 = vector.bitcast %get3A_142 : vector<16xf32> to vector<16xi32>
    %shift_left3A_144 = arith.constant 16 : i32
    %shift_left3A_145 = vector.broadcast %shift_left3A_144 : i32 to vector<16xi32>
    %shift_left3A_146 = arith.shli %bitcast3A_143, %shift_left3A_145 : vector<16xi32>
    %bitcast3A_147 = vector.bitcast %shift_left3A_146 : vector<16xi32> to vector<16xf32>
    %swap3A_148 = arith.constant 160 : index
    %swap3A_149 = tpu.vector_load %arg31[%swap3A_148] {strides = array<i32>} : memref<224xf32, #tpu.memory_space<vmem>>, vector<16xf32>,
    tpu.vector_store %arg31[%swap3A_148], %bitcast3A_147 {strides = array<i32>} : memref<224xf32, #tpu.memory_space<vmem>>, vector<16xf32>,
    %and3A_150 = arith.constant -65536 : i32
    %and3A_151 = vector.broadcast %and3A_150 : i32 to vector<16xi32>
    %and3A_152 = arith.andi %bitcast3A_143, %and3A_151 : vector<16xi32>
    %bitcast3A_153 = vector.bitcast %and3A_152 : vector<16xi32> to vector<16xf32>
    %swap3A_154 = arith.constant 176 : index
    %swap3A_155 = tpu.vector_load %arg31[%swap3A_154] {strides = array<i32>} : memref<224xf32, #tpu.memory_space<vmem>>, vector<16xf32>,
    tpu.vector_store %arg31[%swap3A_154], %bitcast3A_153 {strides = array<i32>} : memref<224xf32, #tpu.memory_space<vmem>>, vector<16xf32>,
    %get3A_156 = arith.constant 0 : i32
    %get3A_157 = arith.index_cast %get3A_156 : i32 to index
    %get3A_158 = arith.constant 96 : index
    %get3A_159 = tpu.vector_load %arg30[%get3A_157, %get3A_158] {strides = array<i32>} : memref<1x128xf32, #tpu.memory_space<vmem>>, vector<16xf32>,
    %bitcast3A_160 = vector.bitcast %get3A_159 : vector<16xf32> to vector<16xi32>
    %shift_left3A_161 = arith.constant 16 : i32
    %shift_left3A_162 = vector.broadcast %shift_left3A_161 : i32 to vector<16xi32>
    %shift_left3A_163 = arith.shli %bitcast3A_160, %shift_left3A_162 : vector<16xi32>
    %bitcast3A_164 = vector.bitcast %shift_left3A_163 : vector<16xi32> to vector<16xf32>
    %swap3A_165 = arith.constant 192 : index
    %swap3A_166 = tpu.vector_load %arg31[%swap3A_165] {strides = array<i32>} : memref<224xf32, #tpu.memory_space<vmem>>, vector<16xf32>,
    tpu.vector_store %arg31[%swap3A_165], %bitcast3A_164 {strides = array<i32>} : memref<224xf32, #tpu.memory_space<vmem>>, vector<16xf32>,
    %and3A_167 = arith.constant -65536 : i32
    %and3A_168 = vector.broadcast %and3A_167 : i32 to vector<16xi32>
    %and3A_169 = arith.andi %bitcast3A_160, %and3A_168 : vector<16xi32>
    %bitcast3A_170 = vector.bitcast %and3A_169 : vector<16xi32> to vector<16xf32>
    %swap3A_171 = arith.constant 208 : index
    %swap3A_172 = tpu.vector_load %arg31[%swap3A_171] {strides = array<i32>} : memref<224xf32, #tpu.memory_space<vmem>>, vector<16xf32>,
    tpu.vector_store %arg31[%swap3A_171], %bitcast3A_170 {strides = array<i32>} : memref<224xf32, #tpu.memory_space<vmem>>, vector<16xf32>,
    %scan3A_173 = arith.constant 0 : i32
    %scan3A_174 = arith.constant 0 : i32
    %scan3A_175 = arith.constant 32 : i32
    %scan3A_176 = arith.addi %scan3A_174, %scan3A_175 : i32
    %scan3A_177 = arith.constant 1 : i32
    scf.for %scan3A_179 = %scan3A_174 to %scan3A_176 step %scan3A_177  : i32 {
      %mul3A_180 = arith.constant 16 : i32
      %mul3A_181 = arith.muli %scan3A_179, %mul3A_180 : i32
      %add3A_182 = arith.addi %mul3A_2, %mul3A_181 : i32
      %mul3A_183 = arith.constant 16 : i32
      %mul3A_184 = arith.muli %scan3A_179, %mul3A_183 : i32
      "tpu.region"() ({
        %run_scoped3A = tpu.sem_alloc : memref<!tpu.dma_semaphore, #tpu.memory_space<semaphore_mem>>
        %dma_start3A_456 = arith.constant 0 : i32
        %dma_start3A_457 = tpu.memref_slice %arg2[%add3A_182, %dma_start3A_456] : memref<16384x50xi32, #tpu.memory_space<hbm>> -> memref<16x50xi32, #tpu.memory_space<hbm>>
        %dma_start3A_458 = arith.constant 0 : i32
        %dma_start3A_459 = tpu.memref_slice %arg2[%add3A_182, %dma_start3A_458] : memref<16384x50xi32, #tpu.memory_space<hbm>> -> memref<16x50xi32, #tpu.memory_space<hbm>>
        tpu.enqueue_dma source(%dma_start3A_459 : memref<16x50xi32, #tpu.memory_space<hbm>>) target(%arg16 : memref<16x50xi32, #tpu.memory_space<vmem>>) target_semaphore(%run_scoped3A : memref<!tpu.dma_semaphore, #tpu.memory_space<semaphore_mem>>)
        %dma_wait3A = arith.constant 0 : i32
        %dma_wait3A_460 = tpu.memref_slice %arg2[%add3A_182, %dma_wait3A] : memref<16384x50xi32, #tpu.memory_space<hbm>> -> memref<16x50xi32, #tpu.memory_space<hbm>>
        %dma_wait3A_461 = arith.constant 0 : i32
        %dma_wait3A_462 = tpu.memref_slice %arg2[%add3A_182, %dma_wait3A_461] : memref<16384x50xi32, #tpu.memory_space<hbm>> -> memref<16x50xi32, #tpu.memory_space<hbm>>
        tpu.wait_dma2 semaphore(%run_scoped3A : memref<!tpu.dma_semaphore, #tpu.memory_space<semaphore_mem>>) src(%dma_wait3A_462 : memref<16x50xi32, #tpu.memory_space<hbm>>) dst(%arg16 : memref<16x50xi32, #tpu.memory_space<vmem>>)
        tpu.yield
      }) : () -> ()
      %mul3A_185 = arith.constant 50 : i32
      %mul3A_186 = arith.muli %add3A_182, %mul3A_185 : i32
      "tpu.region"() ({
        %run_scoped3A = tpu.sem_alloc : memref<!tpu.dma_semaphore, #tpu.memory_space<semaphore_mem>>
        %dma_start3A_456 = tpu.memref_slice %arg3[%mul3A_186] : memref<819200xi32, #tpu.memory_space<hbm>> -> memref<800xi32, #tpu.memory_space<hbm>>
        %dma_start3A_457 = tpu.memref_slice %arg3[%mul3A_186] : memref<819200xi32, #tpu.memory_space<hbm>> -> memref<800xi32, #tpu.memory_space<hbm>>
        tpu.enqueue_dma source(%dma_start3A_457 : memref<800xi32, #tpu.memory_space<hbm>>) target(%arg17 : memref<800xi32, #tpu.memory_space<vmem>>) target_semaphore(%run_scoped3A : memref<!tpu.dma_semaphore, #tpu.memory_space<semaphore_mem>>)
        %dma_wait3A = tpu.memref_slice %arg3[%mul3A_186] : memref<819200xi32, #tpu.memory_space<hbm>> -> memref<800xi32, #tpu.memory_space<hbm>>
        %dma_wait3A_458 = tpu.memref_slice %arg3[%mul3A_186] : memref<819200xi32, #tpu.memory_space<hbm>> -> memref<800xi32, #tpu.memory_space<hbm>>
        tpu.wait_dma2 semaphore(%run_scoped3A : memref<!tpu.dma_semaphore, #tpu.memory_space<semaphore_mem>>) src(%dma_wait3A_458 : memref<800xi32, #tpu.memory_space<hbm>>) dst(%arg17 : memref<800xi32, #tpu.memory_space<vmem>>)
        tpu.yield
      }) : () -> ()
      %get3A_187 = arith.index_cast %mul3A_184 : i32 to index
      %get3A_188 = tpu.vector_load %arg20[%get3A_187] {strides = array<i32>} : memref<512xi32, #tpu.memory_space<vmem>>, vector<16xi32>,
      %convert_element_type3A = arith.sitofp %get3A_188 : vector<16xi32> to vector<16xf32>
      %max3A = arith.constant 1.000000e+00 : f32
      %max3A_189 = vector.broadcast %max3A : f32 to vector<16xf32>
      %max3A_190 = arith.maximumf %convert_element_type3A, %max3A_189 : vector<16xf32>
      %div3A_191 = arith.constant 1.000000e+00 : f32
      %div3A_192 = vector.broadcast %div3A_191 : f32 to vector<16xf32>
      %div3A_193 = arith.divf %div3A_192, %max3A_190 : vector<16xf32>
      %dma_start3A = arith.constant 0 : i32
      %dma_start3A_194 = arith.constant 0 : i32
      %dma_start3A_195 = arith.constant 0 : i32
      %dma_start3A_196 = arith.constant 0 : i32
      %dma_start3A_197 = arith.constant 0 : i32
      %dma_start3A_198 = tpu.memref_slice %arg18[%dma_start3A_194, %dma_start3A_196, %dma_start3A_197] : memref<4x50x128xf32, #tpu.memory_space<vmem>> -> memref<1x50x128xf32, #tpu.memory_space<vmem>>
      %dma_start3A_199 = tpu.memref_squeeze %dma_start3A_198 : memref<1x50x128xf32, #tpu.memory_space<vmem>> -> memref<50x128xf32, #tpu.memory_space<vmem>>
      %dma_start3A_200 = arith.constant 0 : i32
      %dma_start3A_201 = tpu.memref_slice %arg16[%dma_start3A, %dma_start3A_200] : memref<16x50xi32, #tpu.memory_space<vmem>> -> memref<1x50xi32, #tpu.memory_space<vmem>>
      %dma_start3A_202 = tpu.memref_squeeze %dma_start3A_201 : memref<1x50xi32, #tpu.memory_space<vmem>> -> memref<50xi32, #tpu.memory_space<vmem>>
      %dma_start3A_203 = arith.constant 0 : i32
      %dma_start3A_204 = arith.constant 0 : i32
      %dma_start3A_205 = tpu.memref_slice %arg11[%dma_start3A_203, %dma_start3A_204] : memref<100000x128xf32, #tpu.memory_space<hbm>> -> memref<100000x128xf32, #tpu.memory_space<hbm>>
      %dma_start3A_206 = tpu.memref_slice %arg32[%dma_start3A_195] : memref<4x!tpu.dma_semaphore, #tpu.memory_space<semaphore_mem>> -> memref<1x!tpu.dma_semaphore, #tpu.memory_space<semaphore_mem>>
      %dma_start3A_207 = tpu.memref_squeeze %dma_start3A_206 : memref<1x!tpu.dma_semaphore, #tpu.memory_space<semaphore_mem>> -> memref<!tpu.dma_semaphore, #tpu.memory_space<semaphore_mem>>
      tpu.enqueue_indirect_dma source(%dma_start3A_205 : memref<100000x128xf32, #tpu.memory_space<hbm>>) target(%dma_start3A_199 : memref<50x128xf32, #tpu.memory_space<vmem>>) offsets(%dma_start3A_202 : memref<50xi32, #tpu.memory_space<vmem>>) semaphore(%dma_start3A_207 : memref<!tpu.dma_semaphore, #tpu.memory_space<semaphore_mem>>)
      %dma_start3A_208 = arith.constant 1 : i32
      %dma_start3A_209 = arith.constant 1 : i32
      %dma_start3A_210 = arith.constant 1 : i32
      %dma_start3A_211 = arith.constant 0 : i32
      %dma_start3A_212 = arith.constant 0 : i32
      %dma_start3A_213 = tpu.memref_slice %arg18[%dma_start3A_209, %dma_start3A_211, %dma_start3A_212] : memref<4x50x128xf32, #tpu.memory_space<vmem>> -> memref<1x50x128xf32, #tpu.memory_space<vmem>>
      %dma_start3A_214 = tpu.memref_squeeze %dma_start3A_213 : memref<1x50x128xf32, #tpu.memory_space<vmem>> -> memref<50x128xf32, #tpu.memory_space<vmem>>
      %dma_start3A_215 = arith.constant 0 : i32
      %dma_start3A_216 = tpu.memref_slice %arg16[%dma_start3A_208, %dma_start3A_215] : memref<16x50xi32, #tpu.memory_space<vmem>> -> memref<1x50xi32, #tpu.memory_space<vmem>>
      %dma_start3A_217 = tpu.memref_squeeze %dma_start3A_216 : memref<1x50xi32, #tpu.memory_space<vmem>> -> memref<50xi32, #tpu.memory_space<vmem>>
      %dma_start3A_218 = arith.constant 0 : i32
      %dma_start3A_219 = arith.constant 0 : i32
      %dma_start3A_220 = tpu.memref_slice %arg11[%dma_start3A_218, %dma_start3A_219] : memref<100000x128xf32, #tpu.memory_space<hbm>> -> memref<100000x128xf32, #tpu.memory_space<hbm>>
      %dma_start3A_221 = tpu.memref_slice %arg32[%dma_start3A_210] : memref<4x!tpu.dma_semaphore, #tpu.memory_space<semaphore_mem>> -> memref<1x!tpu.dma_semaphore, #tpu.memory_space<semaphore_mem>>
      %dma_start3A_222 = tpu.memref_squeeze %dma_start3A_221 : memref<1x!tpu.dma_semaphore, #tpu.memory_space<semaphore_mem>> -> memref<!tpu.dma_semaphore, #tpu.memory_space<semaphore_mem>>
      tpu.enqueue_indirect_dma source(%dma_start3A_220 : memref<100000x128xf32, #tpu.memory_space<hbm>>) target(%dma_start3A_214 : memref<50x128xf32, #tpu.memory_space<vmem>>) offsets(%dma_start3A_217 : memref<50xi32, #tpu.memory_space<vmem>>) semaphore(%dma_start3A_222 : memref<!tpu.dma_semaphore, #tpu.memory_space<semaphore_mem>>)
      %dma_start3A_223 = arith.constant 2 : i32
      %dma_start3A_224 = arith.constant 2 : i32
      %dma_start3A_225 = arith.constant 2 : i32
      %dma_start3A_226 = arith.constant 0 : i32
      %dma_start3A_227 = arith.constant 0 : i32
      %dma_start3A_228 = tpu.memref_slice %arg18[%dma_start3A_224, %dma_start3A_226, %dma_start3A_227] : memref<4x50x128xf32, #tpu.memory_space<vmem>> -> memref<1x50x128xf32, #tpu.memory_space<vmem>>
      %dma_start3A_229 = tpu.memref_squeeze %dma_start3A_228 : memref<1x50x128xf32, #tpu.memory_space<vmem>> -> memref<50x128xf32, #tpu.memory_space<vmem>>
      %dma_start3A_230 = arith.constant 0 : i32
      %dma_start3A_231 = tpu.memref_slice %arg16[%dma_start3A_223, %dma_start3A_230] : memref<16x50xi32, #tpu.memory_space<vmem>> -> memref<1x50xi32, #tpu.memory_space<vmem>>
      %dma_start3A_232 = tpu.memref_squeeze %dma_start3A_231 : memref<1x50xi32, #tpu.memory_space<vmem>> -> memref<50xi32, #tpu.memory_space<vmem>>
      %dma_start3A_233 = arith.constant 0 : i32
      %dma_start3A_234 = arith.constant 0 : i32
      %dma_start3A_235 = tpu.memref_slice %arg11[%dma_start3A_233, %dma_start3A_234] : memref<100000x128xf32, #tpu.memory_space<hbm>> -> memref<100000x128xf32, #tpu.memory_space<hbm>>
      %dma_start3A_236 = tpu.memref_slice %arg32[%dma_start3A_225] : memref<4x!tpu.dma_semaphore, #tpu.memory_space<semaphore_mem>> -> memref<1x!tpu.dma_semaphore, #tpu.memory_space<semaphore_mem>>
      %dma_start3A_237 = tpu.memref_squeeze %dma_start3A_236 : memref<1x!tpu.dma_semaphore, #tpu.memory_space<semaphore_mem>> -> memref<!tpu.dma_semaphore, #tpu.memory_space<semaphore_mem>>
      tpu.enqueue_indirect_dma source(%dma_start3A_235 : memref<100000x128xf32, #tpu.memory_space<hbm>>) target(%dma_start3A_229 : memref<50x128xf32, #tpu.memory_space<vmem>>) offsets(%dma_start3A_232 : memref<50xi32, #tpu.memory_space<vmem>>) semaphore(%dma_start3A_237 : memref<!tpu.dma_semaphore, #tpu.memory_space<semaphore_mem>>)
      %scan3A_238 = arith.constant 0 : i32
      %scan3A_239 = arith.constant 0 : i32
      %scan3A_240 = arith.constant 16 : i32
      %scan3A_241 = arith.addi %scan3A_239, %scan3A_240 : i32
      %scan3A_242 = arith.constant 1 : i32
      scf.for %scan3A_456 = %scan3A_239 to %scan3A_241 step %scan3A_242  : i32 {
        %rem3A_457 = arith.constant 4 : i32
        %rem3A_458 = arith.remsi %scan3A_456, %rem3A_457 : i32
        %add3A_459 = arith.constant 3 : i32
        %add3A_460 = arith.addi %scan3A_456, %add3A_459 : i32
        %rem3A_461 = arith.constant 4 : i32
        %rem3A_462 = arith.remsi %add3A_460, %rem3A_461 : i32
        %lt3A_463 = arith.constant 13 : i32
        %lt3A_464 = arith.cmpi slt, %scan3A_456, %lt3A_463 : i32
        %convert_element_type3A_465 = arith.extui %lt3A_464 : i1 to i32
        %cond3A = arith.constant 0 : i32
        %cond3A_466 = arith.cmpi ne, %convert_element_type3A_465, %cond3A : i32
        scf.if %cond3A_466 {
          %add3A_751 = arith.constant 3 : i32
          %add3A_752 = arith.addi %scan3A_456, %add3A_751 : i32
          %dma_start3A_753 = arith.constant 0 : i32
          %dma_start3A_754 = arith.constant 0 : i32
          %dma_start3A_755 = tpu.memref_slice %arg18[%rem3A_462, %dma_start3A_753, %dma_start3A_754] : memref<4x50x128xf32, #tpu.memory_space<vmem>> -> memref<1x50x128xf32, #tpu.memory_space<vmem>>
          %dma_start3A_756 = tpu.memref_squeeze %dma_start3A_755 : memref<1x50x128xf32, #tpu.memory_space<vmem>> -> memref<50x128xf32, #tpu.memory_space<vmem>>
          %dma_start3A_757 = arith.constant 0 : i32
          %dma_start3A_758 = tpu.memref_slice %arg16[%add3A_752, %dma_start3A_757] : memref<16x50xi32, #tpu.memory_space<vmem>> -> memref<1x50xi32, #tpu.memory_space<vmem>>
          %dma_start3A_759 = tpu.memref_squeeze %dma_start3A_758 : memref<1x50xi32, #tpu.memory_space<vmem>> -> memref<50xi32, #tpu.memory_space<vmem>>
          %dma_start3A_760 = arith.constant 0 : i32
          %dma_start3A_761 = arith.constant 0 : i32
          %dma_start3A_762 = tpu.memref_slice %arg11[%dma_start3A_760, %dma_start3A_761] : memref<100000x128xf32, #tpu.memory_space<hbm>> -> memref<100000x128xf32, #tpu.memory_space<hbm>>
          %dma_start3A_763 = tpu.memref_slice %arg32[%rem3A_462] : memref<4x!tpu.dma_semaphore, #tpu.memory_space<semaphore_mem>> -> memref<1x!tpu.dma_semaphore, #tpu.memory_space<semaphore_mem>>
          %dma_start3A_764 = tpu.memref_squeeze %dma_start3A_763 : memref<1x!tpu.dma_semaphore, #tpu.memory_space<semaphore_mem>> -> memref<!tpu.dma_semaphore, #tpu.memory_space<semaphore_mem>>
          tpu.enqueue_indirect_dma source(%dma_start3A_762 : memref<100000x128xf32, #tpu.memory_space<hbm>>) target(%dma_start3A_756 : memref<50x128xf32, #tpu.memory_space<vmem>>) offsets(%dma_start3A_759 : memref<50xi32, #tpu.memory_space<vmem>>) semaphore(%dma_start3A_764 : memref<!tpu.dma_semaphore, #tpu.memory_space<semaphore_mem>>)
        } else {
        }
        %dma_wait3A = arith.constant 0 : i32
        %dma_wait3A_467 = arith.constant 0 : i32
        %dma_wait3A_468 = tpu.memref_slice %arg18[%rem3A_458, %dma_wait3A, %dma_wait3A_467] : memref<4x50x128xf32, #tpu.memory_space<vmem>> -> memref<1x50x128xf32, #tpu.memory_space<vmem>>
        %dma_wait3A_469 = tpu.memref_squeeze %dma_wait3A_468 : memref<1x50x128xf32, #tpu.memory_space<vmem>> -> memref<50x128xf32, #tpu.memory_space<vmem>>
        %dma_wait3A_470 = arith.constant 0 : i32
        %dma_wait3A_471 = tpu.memref_slice %arg16[%scan3A_456, %dma_wait3A_470] : memref<16x50xi32, #tpu.memory_space<vmem>> -> memref<1x50xi32, #tpu.memory_space<vmem>>
        %dma_wait3A_472 = tpu.memref_squeeze %dma_wait3A_471 : memref<1x50xi32, #tpu.memory_space<vmem>> -> memref<50xi32, #tpu.memory_space<vmem>>
        %dma_wait3A_473 = arith.constant 0 : i32
        %dma_wait3A_474 = arith.constant 0 : i32
        %dma_wait3A_475 = tpu.memref_slice %arg11[%dma_wait3A_473, %dma_wait3A_474] : memref<100000x128xf32, #tpu.memory_space<hbm>> -> memref<100000x128xf32, #tpu.memory_space<hbm>>
        %dma_wait3A_476 = tpu.memref_slice %arg32[%rem3A_458] : memref<4x!tpu.dma_semaphore, #tpu.memory_space<semaphore_mem>> -> memref<1x!tpu.dma_semaphore, #tpu.memory_space<semaphore_mem>>
        %dma_wait3A_477 = tpu.memref_squeeze %dma_wait3A_476 : memref<1x!tpu.dma_semaphore, #tpu.memory_space<semaphore_mem>> -> memref<!tpu.dma_semaphore, #tpu.memory_space<semaphore_mem>>
        tpu.wait_indirect_dma semaphore(%dma_wait3A_477 : memref<!tpu.dma_semaphore, #tpu.memory_space<semaphore_mem>>) src(%dma_wait3A_475 : memref<100000x128xf32, #tpu.memory_space<hbm>>) dst(%dma_wait3A_469 : memref<50x128xf32, #tpu.memory_space<vmem>>)
        %broadcast_in_dim3A = arith.constant 0.000000e+00 : f32
        %broadcast_in_dim3A_478 = vector.broadcast %broadcast_in_dim3A : f32 to vector<16xf32>
        %broadcast_in_dim3A_479 = arith.constant 0.000000e+00 : f32
        %broadcast_in_dim3A_480 = vector.broadcast %broadcast_in_dim3A_479 : f32 to vector<16xf32>
        %broadcast_in_dim3A_481 = arith.constant 0.000000e+00 : f32
        %broadcast_in_dim3A_482 = vector.broadcast %broadcast_in_dim3A_481 : f32 to vector<16xf32>
        %broadcast_in_dim3A_483 = arith.constant 0.000000e+00 : f32
        %broadcast_in_dim3A_484 = vector.broadcast %broadcast_in_dim3A_483 : f32 to vector<16xf32>
        %broadcast_in_dim3A_485 = arith.constant 0.000000e+00 : f32
        %broadcast_in_dim3A_486 = vector.broadcast %broadcast_in_dim3A_485 : f32 to vector<16xf32>
        %broadcast_in_dim3A_487 = arith.constant 0.000000e+00 : f32
        %broadcast_in_dim3A_488 = vector.broadcast %broadcast_in_dim3A_487 : f32 to vector<16xf32>
        %broadcast_in_dim3A_489 = arith.constant 0.000000e+00 : f32
        %broadcast_in_dim3A_490 = vector.broadcast %broadcast_in_dim3A_489 : f32 to vector<16xf32>
        %broadcast_in_dim3A_491 = arith.constant 0.000000e+00 : f32
        %broadcast_in_dim3A_492 = vector.broadcast %broadcast_in_dim3A_491 : f32 to vector<16xf32>
        %broadcast_in_dim3A_493 = arith.constant 0.000000e+00 : f32
        %broadcast_in_dim3A_494 = vector.broadcast %broadcast_in_dim3A_493 : f32 to vector<16xf32>
        %broadcast_in_dim3A_495 = arith.constant 0.000000e+00 : f32
        %broadcast_in_dim3A_496 = vector.broadcast %broadcast_in_dim3A_495 : f32 to vector<16xf32>
        %broadcast_in_dim3A_497 = arith.constant 0.000000e+00 : f32
        %broadcast_in_dim3A_498 = vector.broadcast %broadcast_in_dim3A_497 : f32 to vector<16xf32>
        %broadcast_in_dim3A_499 = arith.constant 0.000000e+00 : f32
        %broadcast_in_dim3A_500 = vector.broadcast %broadcast_in_dim3A_499 : f32 to vector<16xf32>
        %broadcast_in_dim3A_501 = arith.constant 0.000000e+00 : f32
        %broadcast_in_dim3A_502 = vector.broadcast %broadcast_in_dim3A_501 : f32 to vector<16xf32>
        %broadcast_in_dim3A_503 = arith.constant 0.000000e+00 : f32
        %broadcast_in_dim3A_504 = vector.broadcast %broadcast_in_dim3A_503 : f32 to vector<16xf32>
        %scan3A_505 = arith.constant 0 : i32
        %scan3A_506 = arith.constant 50 : i32
        %scan3A_507 = arith.addi %scan3A_505, %scan3A_506 : i32
        %scan3A_508 = arith.constant 1 : i32
        %scan3A_509:14 = scf.for %scan3A_751 = %scan3A_505 to %scan3A_507 step %scan3A_508 iter_args(%scan3A_752 = %broadcast_in_dim3A_478, %scan3A_753 = %broadcast_in_dim3A_480, %scan3A_754 = %broadcast_in_dim3A_482, %scan3A_755 = %broadcast_in_dim3A_484, %scan3A_756 = %broadcast_in_dim3A_486, %scan3A_757 = %broadcast_in_dim3A_488, %scan3A_758 = %broadcast_in_dim3A_490, %scan3A_759 = %broadcast_in_dim3A_492, %scan3A_760 = %broadcast_in_dim3A_494, %scan3A_761 = %broadcast_in_dim3A_496, %scan3A_762 = %broadcast_in_dim3A_498, %scan3A_763 = %broadcast_in_dim3A_500, %scan3A_764 = %broadcast_in_dim3A_502, %scan3A_765 = %broadcast_in_dim3A_504) -> (vector<16xf32>, vector<16xf32>, vector<16xf32>, vector<16xf32>, vector<16xf32>, vector<16xf32>, vector<16xf32>, vector<16xf32>, vector<16xf32>, vector<16xf32>, vector<16xf32>, vector<16xf32>, vector<16xf32>, vector<16xf32>)  : i32 {
          %get3A_766 = arith.index_cast %rem3A_458 : i32 to index
          %get3A_767 = arith.index_cast %scan3A_751 : i32 to index
          %get3A_768 = arith.constant 0 : index
          %get3A_769 = tpu.vector_load %arg18[%get3A_766, %get3A_767, %get3A_768] {strides = array<i32>} : memref<4x50x128xf32, #tpu.memory_space<vmem>>, vector<16xf32>,
          %bitcast3A_770 = vector.bitcast %get3A_769 : vector<16xf32> to vector<16xi32>
          %shift_left3A_771 = arith.constant 16 : i32
          %shift_left3A_772 = vector.broadcast %shift_left3A_771 : i32 to vector<16xi32>
          %shift_left3A_773 = arith.shli %bitcast3A_770, %shift_left3A_772 : vector<16xi32>
          %bitcast3A_774 = vector.bitcast %shift_left3A_773 : vector<16xi32> to vector<16xf32>
          %add3A_775 = arith.addf %scan3A_752, %bitcast3A_774 : vector<16xf32>
          %and3A_776 = arith.constant -65536 : i32
          %and3A_777 = vector.broadcast %and3A_776 : i32 to vector<16xi32>
          %and3A_778 = arith.andi %bitcast3A_770, %and3A_777 : vector<16xi32>
          %bitcast3A_779 = vector.bitcast %and3A_778 : vector<16xi32> to vector<16xf32>
          %add3A_780 = arith.addf %scan3A_753, %bitcast3A_779 : vector<16xf32>
          %get3A_781 = arith.index_cast %rem3A_458 : i32 to index
          %get3A_782 = arith.index_cast %scan3A_751 : i32 to index
          %get3A_783 = arith.constant 16 : index
          %get3A_784 = tpu.vector_load %arg18[%get3A_781, %get3A_782, %get3A_783] {strides = array<i32>} : memref<4x50x128xf32, #tpu.memory_space<vmem>>, vector<16xf32>,
          %bitcast3A_785 = vector.bitcast %get3A_784 : vector<16xf32> to vector<16xi32>
          %shift_left3A_786 = arith.constant 16 : i32
          %shift_left3A_787 = vector.broadcast %shift_left3A_786 : i32 to vector<16xi32>
          %shift_left3A_788 = arith.shli %bitcast3A_785, %shift_left3A_787 : vector<16xi32>
          %bitcast3A_789 = vector.bitcast %shift_left3A_788 : vector<16xi32> to vector<16xf32>
          %add3A_790 = arith.addf %scan3A_754, %bitcast3A_789 : vector<16xf32>
          %and3A_791 = arith.constant -65536 : i32
          %and3A_792 = vector.broadcast %and3A_791 : i32 to vector<16xi32>
          %and3A_793 = arith.andi %bitcast3A_785, %and3A_792 : vector<16xi32>
          %bitcast3A_794 = vector.bitcast %and3A_793 : vector<16xi32> to vector<16xf32>
          %add3A_795 = arith.addf %scan3A_755, %bitcast3A_794 : vector<16xf32>
          %get3A_796 = arith.index_cast %rem3A_458 : i32 to index
          %get3A_797 = arith.index_cast %scan3A_751 : i32 to index
          %get3A_798 = arith.constant 32 : index
          %get3A_799 = tpu.vector_load %arg18[%get3A_796, %get3A_797, %get3A_798] {strides = array<i32>} : memref<4x50x128xf32, #tpu.memory_space<vmem>>, vector<16xf32>,
          %bitcast3A_800 = vector.bitcast %get3A_799 : vector<16xf32> to vector<16xi32>
          %shift_left3A_801 = arith.constant 16 : i32
          %shift_left3A_802 = vector.broadcast %shift_left3A_801 : i32 to vector<16xi32>
          %shift_left3A_803 = arith.shli %bitcast3A_800, %shift_left3A_802 : vector<16xi32>
          %bitcast3A_804 = vector.bitcast %shift_left3A_803 : vector<16xi32> to vector<16xf32>
          %add3A_805 = arith.addf %scan3A_756, %bitcast3A_804 : vector<16xf32>
          %and3A_806 = arith.constant -65536 : i32
          %and3A_807 = vector.broadcast %and3A_806 : i32 to vector<16xi32>
          %and3A_808 = arith.andi %bitcast3A_800, %and3A_807 : vector<16xi32>
          %bitcast3A_809 = vector.bitcast %and3A_808 : vector<16xi32> to vector<16xf32>
          %add3A_810 = arith.addf %scan3A_757, %bitcast3A_809 : vector<16xf32>
          %get3A_811 = arith.index_cast %rem3A_458 : i32 to index
          %get3A_812 = arith.index_cast %scan3A_751 : i32 to index
          %get3A_813 = arith.constant 48 : index
          %get3A_814 = tpu.vector_load %arg18[%get3A_811, %get3A_812, %get3A_813] {strides = array<i32>} : memref<4x50x128xf32, #tpu.memory_space<vmem>>, vector<16xf32>,
          %bitcast3A_815 = vector.bitcast %get3A_814 : vector<16xf32> to vector<16xi32>
          %shift_left3A_816 = arith.constant 16 : i32
          %shift_left3A_817 = vector.broadcast %shift_left3A_816 : i32 to vector<16xi32>
          %shift_left3A_818 = arith.shli %bitcast3A_815, %shift_left3A_817 : vector<16xi32>
          %bitcast3A_819 = vector.bitcast %shift_left3A_818 : vector<16xi32> to vector<16xf32>
          %add3A_820 = arith.addf %scan3A_758, %bitcast3A_819 : vector<16xf32>
          %and3A_821 = arith.constant -65536 : i32
          %and3A_822 = vector.broadcast %and3A_821 : i32 to vector<16xi32>
          %and3A_823 = arith.andi %bitcast3A_815, %and3A_822 : vector<16xi32>
          %bitcast3A_824 = vector.bitcast %and3A_823 : vector<16xi32> to vector<16xf32>
          %add3A_825 = arith.addf %scan3A_759, %bitcast3A_824 : vector<16xf32>
          %get3A_826 = arith.index_cast %rem3A_458 : i32 to index
          %get3A_827 = arith.index_cast %scan3A_751 : i32 to index
          %get3A_828 = arith.constant 64 : index
          %get3A_829 = tpu.vector_load %arg18[%get3A_826, %get3A_827, %get3A_828] {strides = array<i32>} : memref<4x50x128xf32, #tpu.memory_space<vmem>>, vector<16xf32>,
          %bitcast3A_830 = vector.bitcast %get3A_829 : vector<16xf32> to vector<16xi32>
          %shift_left3A_831 = arith.constant 16 : i32
          %shift_left3A_832 = vector.broadcast %shift_left3A_831 : i32 to vector<16xi32>
          %shift_left3A_833 = arith.shli %bitcast3A_830, %shift_left3A_832 : vector<16xi32>
          %bitcast3A_834 = vector.bitcast %shift_left3A_833 : vector<16xi32> to vector<16xf32>
          %add3A_835 = arith.addf %scan3A_760, %bitcast3A_834 : vector<16xf32>
          %and3A_836 = arith.constant -65536 : i32
          %and3A_837 = vector.broadcast %and3A_836 : i32 to vector<16xi32>
          %and3A_838 = arith.andi %bitcast3A_830, %and3A_837 : vector<16xi32>
          %bitcast3A_839 = vector.bitcast %and3A_838 : vector<16xi32> to vector<16xf32>
          %add3A_840 = arith.addf %scan3A_761, %bitcast3A_839 : vector<16xf32>
          %get3A_841 = arith.index_cast %rem3A_458 : i32 to index
          %get3A_842 = arith.index_cast %scan3A_751 : i32 to index
          %get3A_843 = arith.constant 80 : index
          %get3A_844 = tpu.vector_load %arg18[%get3A_841, %get3A_842, %get3A_843] {strides = array<i32>} : memref<4x50x128xf32, #tpu.memory_space<vmem>>, vector<16xf32>,
          %bitcast3A_845 = vector.bitcast %get3A_844 : vector<16xf32> to vector<16xi32>
          %shift_left3A_846 = arith.constant 16 : i32
          %shift_left3A_847 = vector.broadcast %shift_left3A_846 : i32 to vector<16xi32>
          %shift_left3A_848 = arith.shli %bitcast3A_845, %shift_left3A_847 : vector<16xi32>
          %bitcast3A_849 = vector.bitcast %shift_left3A_848 : vector<16xi32> to vector<16xf32>
          %add3A_850 = arith.addf %scan3A_762, %bitcast3A_849 : vector<16xf32>
          %and3A_851 = arith.constant -65536 : i32
          %and3A_852 = vector.broadcast %and3A_851 : i32 to vector<16xi32>
          %and3A_853 = arith.andi %bitcast3A_845, %and3A_852 : vector<16xi32>
          %bitcast3A_854 = vector.bitcast %and3A_853 : vector<16xi32> to vector<16xf32>
          %add3A_855 = arith.addf %scan3A_763, %bitcast3A_854 : vector<16xf32>
          %get3A_856 = arith.index_cast %rem3A_458 : i32 to index
          %get3A_857 = arith.index_cast %scan3A_751 : i32 to index
          %get3A_858 = arith.constant 96 : index
          %get3A_859 = tpu.vector_load %arg18[%get3A_856, %get3A_857, %get3A_858] {strides = array<i32>} : memref<4x50x128xf32, #tpu.memory_space<vmem>>, vector<16xf32>,
          %bitcast3A_860 = vector.bitcast %get3A_859 : vector<16xf32> to vector<16xi32>
          %shift_left3A_861 = arith.constant 16 : i32
          %shift_left3A_862 = vector.broadcast %shift_left3A_861 : i32 to vector<16xi32>
          %shift_left3A_863 = arith.shli %bitcast3A_860, %shift_left3A_862 : vector<16xi32>
          %bitcast3A_864 = vector.bitcast %shift_left3A_863 : vector<16xi32> to vector<16xf32>
          %add3A_865 = arith.addf %scan3A_764, %bitcast3A_864 : vector<16xf32>
          %and3A_866 = arith.constant -65536 : i32
          %and3A_867 = vector.broadcast %and3A_866 : i32 to vector<16xi32>
          %and3A_868 = arith.andi %bitcast3A_860, %and3A_867 : vector<16xi32>
          %bitcast3A_869 = vector.bitcast %and3A_868 : vector<16xi32> to vector<16xf32>
          %add3A_870 = arith.addf %scan3A_765, %bitcast3A_869 : vector<16xf32>
          scf.yield %add3A_775, %add3A_780, %add3A_790, %add3A_795, %add3A_805, %add3A_810, %add3A_820, %add3A_825, %add3A_835, %add3A_840, %add3A_850, %add3A_855, %add3A_865, %add3A_870 : vector<16xf32>, vector<16xf32>, vector<16xf32>, vector<16xf32>, vector<16xf32>, vector<16xf32>, vector<16xf32>, vector<16xf32>, vector<16xf32>, vector<16xf32>, vector<16xf32>, vector<16xf32>, vector<16xf32>, vector<16xf32>
        }
        %scan3A_510 = arith.constant 50 : i32
        %broadcast_in_dim3A_511 = arith.constant 0 : i32
        %broadcast_in_dim3A_512 = vector.broadcast %broadcast_in_dim3A_511 : i32 to vector<16xi32>
        %broadcast_in_dim3A_513 = vector.broadcast %scan3A_456 : i32 to vector<16xi32>
        %add3A_514 = arith.constant 0 : i32
        %add3A_515 = vector.broadcast %add3A_514 : i32 to vector<16xi32>
        %add3A_516 = arith.addi %add3A_515, %iota3A : vector<16xi32>
        %min3A = arith.constant 49 : i32
        %min3A_517 = vector.broadcast %min3A : i32 to vector<16xi32>
        %min3A_518 = arith.minsi %add3A_516, %min3A_517 : vector<16xi32>
        %mul3A_519 = arith.constant 50 : i32
        %mul3A_520 = vector.broadcast %mul3A_519 : i32 to vector<16xi32>
        %mul3A_521 = arith.muli %broadcast_in_dim3A_513, %mul3A_520 : vector<16xi32>
        %add3A_522 = arith.addi %mul3A_521, %min3A_518 : vector<16xi32>
        %gather3A_523 = tpu.vector_load_idx %arg17[%add3A_522] : memref<800xi32, #tpu.memory_space<vmem>>[vector<16xi32>], vector<16xi32>,
        %eq3A_524 = arith.constant 0 : i32
        %eq3A_525 = vector.broadcast %eq3A_524 : i32 to vector<16xi32>
        %eq3A_526 = arith.cmpi eq, %gather3A_523, %eq3A_525 : vector<16xi32>
        %lt3A_527 = arith.constant 50 : i32
        %lt3A_528 = vector.broadcast %lt3A_527 : i32 to vector<16xi32>
        %lt3A_529 = arith.cmpi slt, %add3A_516, %lt3A_528 : vector<16xi32>
        %and3A_530 = arith.andi %eq3A_526, %lt3A_529 : vector<16xi1>
        %all_reduce_population_count3A = tpu.all_reduce %and3A_530 {dim = 0 : i64, kind = #tpu.reduction_kind<sum>} : vector<16xi1> -> vector<16xi32>
        %add3A_531 = arith.addi %broadcast_in_dim3A_512, %all_reduce_population_count3A : vector<16xi32>
        %add3A_532 = arith.constant 16 : i32
        %add3A_533 = vector.broadcast %add3A_532 : i32 to vector<16xi32>
        %add3A_534 = arith.addi %add3A_533, %iota3A : vector<16xi32>
        %min3A_535 = arith.constant 49 : i32
        %min3A_536 = vector.broadcast %min3A_535 : i32 to vector<16xi32>
        %min3A_537 = arith.minsi %add3A_534, %min3A_536 : vector<16xi32>
        %mul3A_538 = arith.constant 50 : i32
        %mul3A_539 = vector.broadcast %mul3A_538 : i32 to vector<16xi32>
        %mul3A_540 = arith.muli %broadcast_in_dim3A_513, %mul3A_539 : vector<16xi32>
        %add3A_541 = arith.addi %mul3A_540, %min3A_537 : vector<16xi32>
        %gather3A_542 = tpu.vector_load_idx %arg17[%add3A_541] : memref<800xi32, #tpu.memory_space<vmem>>[vector<16xi32>], vector<16xi32>,
        %eq3A_543 = arith.constant 0 : i32
        %eq3A_544 = vector.broadcast %eq3A_543 : i32 to vector<16xi32>
        %eq3A_545 = arith.cmpi eq, %gather3A_542, %eq3A_544 : vector<16xi32>
        %lt3A_546 = arith.constant 50 : i32
        %lt3A_547 = vector.broadcast %lt3A_546 : i32 to vector<16xi32>
        %lt3A_548 = arith.cmpi slt, %add3A_534, %lt3A_547 : vector<16xi32>
        %and3A_549 = arith.andi %eq3A_545, %lt3A_548 : vector<16xi1>
        %all_reduce_population_count3A_550 = tpu.all_reduce %and3A_549 {dim = 0 : i64, kind = #tpu.reduction_kind<sum>} : vector<16xi1> -> vector<16xi32>
        %add3A_551 = arith.addi %add3A_531, %all_reduce_population_count3A_550 : vector<16xi32>
        %add3A_552 = arith.constant 32 : i32
        %add3A_553 = vector.broadcast %add3A_552 : i32 to vector<16xi32>
        %add3A_554 = arith.addi %add3A_553, %iota3A : vector<16xi32>
        %min3A_555 = arith.constant 49 : i32
        %min3A_556 = vector.broadcast %min3A_555 : i32 to vector<16xi32>
        %min3A_557 = arith.minsi %add3A_554, %min3A_556 : vector<16xi32>
        %mul3A_558 = arith.constant 50 : i32
        %mul3A_559 = vector.broadcast %mul3A_558 : i32 to vector<16xi32>
        %mul3A_560 = arith.muli %broadcast_in_dim3A_513, %mul3A_559 : vector<16xi32>
        %add3A_561 = arith.addi %mul3A_560, %min3A_557 : vector<16xi32>
        %gather3A_562 = tpu.vector_load_idx %arg17[%add3A_561] : memref<800xi32, #tpu.memory_space<vmem>>[vector<16xi32>], vector<16xi32>,
        %eq3A_563 = arith.constant 0 : i32
        %eq3A_564 = vector.broadcast %eq3A_563 : i32 to vector<16xi32>
        %eq3A_565 = arith.cmpi eq, %gather3A_562, %eq3A_564 : vector<16xi32>
        %lt3A_566 = arith.constant 50 : i32
        %lt3A_567 = vector.broadcast %lt3A_566 : i32 to vector<16xi32>
        %lt3A_568 = arith.cmpi slt, %add3A_554, %lt3A_567 : vector<16xi32>
        %and3A_569 = arith.andi %eq3A_565, %lt3A_568 : vector<16xi1>
        %all_reduce_population_count3A_570 = tpu.all_reduce %and3A_569 {dim = 0 : i64, kind = #tpu.reduction_kind<sum>} : vector<16xi1> -> vector<16xi32>
        %add3A_571 = arith.addi %add3A_551, %all_reduce_population_count3A_570 : vector<16xi32>
        %add3A_572 = arith.constant 48 : i32
        %add3A_573 = vector.broadcast %add3A_572 : i32 to vector<16xi32>
        %add3A_574 = arith.addi %add3A_573, %iota3A : vector<16xi32>
        %min3A_575 = arith.constant 49 : i32
        %min3A_576 = vector.broadcast %min3A_575 : i32 to vector<16xi32>
        %min3A_577 = arith.minsi %add3A_574, %min3A_576 : vector<16xi32>
        %mul3A_578 = arith.constant 50 : i32
        %mul3A_579 = vector.broadcast %mul3A_578 : i32 to vector<16xi32>
        %mul3A_580 = arith.muli %broadcast_in_dim3A_513, %mul3A_579 : vector<16xi32>
        %add3A_581 = arith.addi %mul3A_580, %min3A_577 : vector<16xi32>
        %gather3A_582 = tpu.vector_load_idx %arg17[%add3A_581] : memref<800xi32, #tpu.memory_space<vmem>>[vector<16xi32>], vector<16xi32>,
        %eq3A_583 = arith.constant 0 : i32
        %eq3A_584 = vector.broadcast %eq3A_583 : i32 to vector<16xi32>
        %eq3A_585 = arith.cmpi eq, %gather3A_582, %eq3A_584 : vector<16xi32>
        %lt3A_586 = arith.constant 50 : i32
        %lt3A_587 = vector.broadcast %lt3A_586 : i32 to vector<16xi32>
        %lt3A_588 = arith.cmpi slt, %add3A_574, %lt3A_587 : vector<16xi32>
        %and3A_589 = arith.andi %eq3A_585, %lt3A_588 : vector<16xi1>
        %all_reduce_population_count3A_590 = tpu.all_reduce %and3A_589 {dim = 0 : i64, kind = #tpu.reduction_kind<sum>} : vector<16xi1> -> vector<16xi32>
        %add3A_591 = arith.addi %add3A_571, %all_reduce_population_count3A_590 : vector<16xi32>
        %convert_element_type3A_592 = arith.sitofp %add3A_591 : vector<16xi32> to vector<16xf32>
        %lt3A_593 = arith.constant 0 : i32
        %lt3A_594 = vector.broadcast %lt3A_593 : i32 to vector<16xi32>
        %lt3A_595 = arith.cmpi slt, %broadcast_in_dim3A_513, %lt3A_594 : vector<16xi32>
        %add3A_596 = arith.constant 16 : i32
        %add3A_597 = vector.broadcast %add3A_596 : i32 to vector<16xi32>
        %add3A_598 = arith.addi %broadcast_in_dim3A_513, %add3A_597 : vector<16xi32>
        %select_n3A_599 = arith.select %lt3A_595, %add3A_598, %broadcast_in_dim3A_513 : vector<16xi1>, vector<16xi32>
        %broadcast_in_dim3A_600 = vector.shape_cast %select_n3A_599 : vector<16xi32> to vector<16x1xi32>
        %gather3A_601 = vector.shape_cast %broadcast_in_dim3A_600 : vector<16x1xi32> to vector<16xi32>
        %gather3A_602 = tpu.dynamic_gather %div3A_193[%gather3A_601] in [0] : vector<16xf32>, vector<16xi32> -> vector<16xf32>
        %jit3A_603 = arith.constant 8 : i32
        %div3A_604 = arith.divsi %scan3A_456, %jit3A_603 : i32
        %sign3A_605 = arith.constant 0 : i32
        %sign3A_606 = arith.cmpi sgt, %scan3A_456, %sign3A_605 : i32
        %sign3A_607 = arith.extui %sign3A_606 : i1 to i32
        %sign3A_608 = arith.constant 0 : i32
        %sign3A_609 = arith.cmpi slt, %scan3A_456, %sign3A_608 : i32
        %sign3A_610 = arith.extui %sign3A_609 : i1 to i32
        %sign3A_611 = arith.subi %sign3A_607, %sign3A_610 : i32
        %sign3A_612 = arith.constant 0 : i32
        %sign3A_613 = arith.cmpi sgt, %jit3A_603, %sign3A_612 : i32
        %sign3A_614 = arith.extui %sign3A_613 : i1 to i32
        %sign3A_615 = arith.constant 0 : i32
        %sign3A_616 = arith.cmpi slt, %jit3A_603, %sign3A_615 : i32
        %sign3A_617 = arith.extui %sign3A_616 : i1 to i32
        %sign3A_618 = arith.subi %sign3A_614, %sign3A_617 : i32
        %ne3A_619 = arith.cmpi ne, %sign3A_611, %sign3A_618 : i32
        %rem3A_620 = arith.remsi %scan3A_456, %jit3A_603 : i32
        %ne3A_621 = arith.constant 0 : i32
        %ne3A_622 = arith.cmpi ne, %rem3A_620, %ne3A_621 : i32
        %and3A_623 = arith.andi %ne3A_619, %ne3A_622 : i1
        %sub3A_624 = arith.constant 1 : i32
        %sub3A_625 = arith.subi %div3A_604, %sub3A_624 : i32
        %select_n3A_626 = arith.select %and3A_623, %sub3A_625, %div3A_604 : i32
        %mul3A_627 = arith.constant 2048 : i32
        %mul3A_628 = arith.muli %select_n3A_626, %mul3A_627 : i32
        %rem3A_629 = arith.constant 8 : i32
        %rem3A_630 = arith.remsi %scan3A_456, %rem3A_629 : i32
        %mul3A_631 = arith.constant 128 : i32
        %mul3A_632 = arith.muli %rem3A_630, %mul3A_631 : i32
        %add3A_633 = arith.addi %mul3A_628, %mul3A_632 : i32
        %broadcast_in_dim3A_634 = vector.broadcast %add3A_633 : i32 to vector<16xi32>
        %mul3A_635 = arith.constant 2 : i32
        %mul3A_636 = vector.broadcast %mul3A_635 : i32 to vector<16xi32>
        %mul3A_637 = arith.muli %mul3A_636, %iota3A : vector<16xi32>
        %add3A_638 = arith.addi %broadcast_in_dim3A_634, %mul3A_637 : vector<16xi32>
        %get3A_639 = arith.constant 0 : index
        %get3A_640 = tpu.vector_load %arg31[%get3A_639] {strides = array<i32>} : memref<224xf32, #tpu.memory_space<vmem>>, vector<16xf32>,
        %mul3A_641 = arith.mulf %convert_element_type3A_592, %get3A_640 : vector<16xf32>
        %sub3A_642 = arith.subf %scan3A_509#0, %mul3A_641 : vector<16xf32>
        %mul3A_643 = arith.mulf %sub3A_642, %gather3A_602 : vector<16xf32>
        %get3A_644 = arith.constant 16 : index
        %get3A_645 = tpu.vector_load %arg31[%get3A_644] {strides = array<i32>} : memref<224xf32, #tpu.memory_space<vmem>>, vector<16xf32>,
        %mul3A_646 = arith.mulf %convert_element_type3A_592, %get3A_645 : vector<16xf32>
        %sub3A_647 = arith.subf %scan3A_509#1, %mul3A_646 : vector<16xf32>
        %mul3A_648 = arith.mulf %sub3A_647, %gather3A_602 : vector<16xf32>
        %add3A_649 = arith.constant 0 : i32
        %add3A_650 = vector.broadcast %add3A_649 : i32 to vector<16xi32>
        %add3A_651 = arith.addi %add3A_638, %add3A_650 : vector<16xi32>
        tpu.vector_store_idx %arg19[%add3A_651], %mul3A_643 : memref<4096xf32, #tpu.memory_space<vmem>>[vector<16xi32>], vector<16xf32>,
        %add3A_652 = arith.constant 1 : i32
        %add3A_653 = vector.broadcast %add3A_652 : i32 to vector<16xi32>
        %add3A_654 = arith.addi %add3A_638, %add3A_653 : vector<16xi32>
        tpu.vector_store_idx %arg19[%add3A_654], %mul3A_648 : memref<4096xf32, #tpu.memory_space<vmem>>[vector<16xi32>], vector<16xf32>,
        %get3A_655 = arith.constant 32 : index
        %get3A_656 = tpu.vector_load %arg31[%get3A_655] {strides = array<i32>} : memref<224xf32, #tpu.memory_space<vmem>>, vector<16xf32>,
        %mul3A_657 = arith.mulf %convert_element_type3A_592, %get3A_656 : vector<16xf32>
        %sub3A_658 = arith.subf %scan3A_509#2, %mul3A_657 : vector<16xf32>
        %mul3A_659 = arith.mulf %sub3A_658, %gather3A_602 : vector<16xf32>
        %get3A_660 = arith.constant 48 : index
        %get3A_661 = tpu.vector_load %arg31[%get3A_660] {strides = array<i32>} : memref<224xf32, #tpu.memory_space<vmem>>, vector<16xf32>,
        %mul3A_662 = arith.mulf %convert_element_type3A_592, %get3A_661 : vector<16xf32>
        %sub3A_663 = arith.subf %scan3A_509#3, %mul3A_662 : vector<16xf32>
        %mul3A_664 = arith.mulf %sub3A_663, %gather3A_602 : vector<16xf32>
        %add3A_665 = arith.constant 32 : i32
        %add3A_666 = vector.broadcast %add3A_665 : i32 to vector<16xi32>
        %add3A_667 = arith.addi %add3A_638, %add3A_666 : vector<16xi32>
        tpu.vector_store_idx %arg19[%add3A_667], %mul3A_659 : memref<4096xf32, #tpu.memory_space<vmem>>[vector<16xi32>], vector<16xf32>,
        %add3A_668 = arith.constant 33 : i32
        %add3A_669 = vector.broadcast %add3A_668 : i32 to vector<16xi32>
        %add3A_670 = arith.addi %add3A_638, %add3A_669 : vector<16xi32>
        tpu.vector_store_idx %arg19[%add3A_670], %mul3A_664 : memref<4096xf32, #tpu.memory_space<vmem>>[vector<16xi32>], vector<16xf32>,
        %get3A_671 = arith.constant 64 : index
        %get3A_672 = tpu.vector_load %arg31[%get3A_671] {strides = array<i32>} : memref<224xf32, #tpu.memory_space<vmem>>, vector<16xf32>,
        %mul3A_673 = arith.mulf %convert_element_type3A_592, %get3A_672 : vector<16xf32>
        %sub3A_674 = arith.subf %scan3A_509#4, %mul3A_673 : vector<16xf32>
        %mul3A_675 = arith.mulf %sub3A_674, %gather3A_602 : vector<16xf32>
        %get3A_676 = arith.constant 80 : index
        %get3A_677 = tpu.vector_load %arg31[%get3A_676] {strides = array<i32>} : memref<224xf32, #tpu.memory_space<vmem>>, vector<16xf32>,
        %mul3A_678 = arith.mulf %convert_element_type3A_592, %get3A_677 : vector<16xf32>
        %sub3A_679 = arith.subf %scan3A_509#5, %mul3A_678 : vector<16xf32>
        %mul3A_680 = arith.mulf %sub3A_679, %gather3A_602 : vector<16xf32>
        %add3A_681 = arith.constant 64 : i32
        %add3A_682 = vector.broadcast %add3A_681 : i32 to vector<16xi32>
        %add3A_683 = arith.addi %add3A_638, %add3A_682 : vector<16xi32>
        tpu.vector_store_idx %arg19[%add3A_683], %mul3A_675 : memref<4096xf32, #tpu.memory_space<vmem>>[vector<16xi32>], vector<16xf32>,
        %add3A_684 = arith.constant 65 : i32
        %add3A_685 = vector.broadcast %add3A_684 : i32 to vector<16xi32>
        %add3A_686 = arith.addi %add3A_638, %add3A_685 : vector<16xi32>
        tpu.vector_store_idx %arg19[%add3A_686], %mul3A_680 : memref<4096xf32, #tpu.memory_space<vmem>>[vector<16xi32>], vector<16xf32>,
        %get3A_687 = arith.constant 96 : index
        %get3A_688 = tpu.vector_load %arg31[%get3A_687] {strides = array<i32>} : memref<224xf32, #tpu.memory_space<vmem>>, vector<16xf32>,
        %mul3A_689 = arith.mulf %convert_element_type3A_592, %get3A_688 : vector<16xf32>
        %sub3A_690 = arith.subf %scan3A_509#6, %mul3A_689 : vector<16xf32>
        %mul3A_691 = arith.mulf %sub3A_690, %gather3A_602 : vector<16xf32>
        %get3A_692 = arith.constant 112 : index
        %get3A_693 = tpu.vector_load %arg31[%get3A_692] {strides = array<i32>} : memref<224xf32, #tpu.memory_space<vmem>>, vector<16xf32>,
        %mul3A_694 = arith.mulf %convert_element_type3A_592, %get3A_693 : vector<16xf32>
        %sub3A_695 = arith.subf %scan3A_509#7, %mul3A_694 : vector<16xf32>
        %mul3A_696 = arith.mulf %sub3A_695, %gather3A_602 : vector<16xf32>
        %add3A_697 = arith.constant 96 : i32
        %add3A_698 = vector.broadcast %add3A_697 : i32 to vector<16xi32>
        %add3A_699 = arith.addi %add3A_638, %add3A_698 : vector<16xi32>
        tpu.vector_store_idx %arg19[%add3A_699], %mul3A_691 : memref<4096xf32, #tpu.memory_space<vmem>>[vector<16xi32>], vector<16xf32>,
        %add3A_700 = arith.constant 97 : i32
        %add3A_701 = vector.broadcast %add3A_700 : i32 to vector<16xi32>
        %add3A_702 = arith.addi %add3A_638, %add3A_701 : vector<16xi32>
        tpu.vector_store_idx %arg19[%add3A_702], %mul3A_696 : memref<4096xf32, #tpu.memory_space<vmem>>[vector<16xi32>], vector<16xf32>,
        %get3A_703 = arith.constant 128 : index
        %get3A_704 = tpu.vector_load %arg31[%get3A_703] {strides = array<i32>} : memref<224xf32, #tpu.memory_space<vmem>>, vector<16xf32>,
        %mul3A_705 = arith.mulf %convert_element_type3A_592, %get3A_704 : vector<16xf32>
        %sub3A_706 = arith.subf %scan3A_509#8, %mul3A_705 : vector<16xf32>
        %mul3A_707 = arith.mulf %sub3A_706, %gather3A_602 : vector<16xf32>
        %get3A_708 = arith.constant 144 : index
        %get3A_709 = tpu.vector_load %arg31[%get3A_708] {strides = array<i32>} : memref<224xf32, #tpu.memory_space<vmem>>, vector<16xf32>,
        %mul3A_710 = arith.mulf %convert_element_type3A_592, %get3A_709 : vector<16xf32>
        %sub3A_711 = arith.subf %scan3A_509#9, %mul3A_710 : vector<16xf32>
        %mul3A_712 = arith.mulf %sub3A_711, %gather3A_602 : vector<16xf32>
        %add3A_713 = arith.constant 1024 : i32
        %add3A_714 = vector.broadcast %add3A_713 : i32 to vector<16xi32>
        %add3A_715 = arith.addi %add3A_638, %add3A_714 : vector<16xi32>
        tpu.vector_store_idx %arg19[%add3A_715], %mul3A_707 : memref<4096xf32, #tpu.memory_space<vmem>>[vector<16xi32>], vector<16xf32>,
        %add3A_716 = arith.constant 1025 : i32
        %add3A_717 = vector.broadcast %add3A_716 : i32 to vector<16xi32>
        %add3A_718 = arith.addi %add3A_638, %add3A_717 : vector<16xi32>
        tpu.vector_store_idx %arg19[%add3A_718], %mul3A_712 : memref<4096xf32, #tpu.memory_space<vmem>>[vector<16xi32>], vector<16xf32>,
        %get3A_719 = arith.constant 160 : index
        %get3A_720 = tpu.vector_load %arg31[%get3A_719] {strides = array<i32>} : memref<224xf32, #tpu.memory_space<vmem>>, vector<16xf32>,
        %mul3A_721 = arith.mulf %convert_element_type3A_592, %get3A_720 : vector<16xf32>
        %sub3A_722 = arith.subf %scan3A_509#10, %mul3A_721 : vector<16xf32>
        %mul3A_723 = arith.mulf %sub3A_722, %gather3A_602 : vector<16xf32>
        %get3A_724 = arith.constant 176 : index
        %get3A_725 = tpu.vector_load %arg31[%get3A_724] {strides = array<i32>} : memref<224xf32, #tpu.memory_space<vmem>>, vector<16xf32>,
        %mul3A_726 = arith.mulf %convert_element_type3A_592, %get3A_725 : vector<16xf32>
        %sub3A_727 = arith.subf %scan3A_509#11, %mul3A_726 : vector<16xf32>
        %mul3A_728 = arith.mulf %sub3A_727, %gather3A_602 : vector<16xf32>
        %add3A_729 = arith.constant 1056 : i32
        %add3A_730 = vector.broadcast %add3A_729 : i32 to vector<16xi32>
        %add3A_731 = arith.addi %add3A_638, %add3A_730 : vector<16xi32>
        tpu.vector_store_idx %arg19[%add3A_731], %mul3A_723 : memref<4096xf32, #tpu.memory_space<vmem>>[vector<16xi32>], vector<16xf32>,
        %add3A_732 = arith.constant 1057 : i32
        %add3A_733 = vector.broadcast %add3A_732 : i32 to vector<16xi32>
        %add3A_734 = arith.addi %add3A_638, %add3A_733 : vector<16xi32>
        tpu.vector_store_idx %arg19[%add3A_734], %mul3A_728 : memref<4096xf32, #tpu.memory_space<vmem>>[vector<16xi32>], vector<16xf32>,
        %get3A_735 = arith.constant 192 : index
        %get3A_736 = tpu.vector_load %arg31[%get3A_735] {strides = array<i32>} : memref<224xf32, #tpu.memory_space<vmem>>, vector<16xf32>,
        %mul3A_737 = arith.mulf %convert_element_type3A_592, %get3A_736 : vector<16xf32>
        %sub3A_738 = arith.subf %scan3A_509#12, %mul3A_737 : vector<16xf32>
        %mul3A_739 = arith.mulf %sub3A_738, %gather3A_602 : vector<16xf32>
        %get3A_740 = arith.constant 208 : index
        %get3A_741 = tpu.vector_load %arg31[%get3A_740] {strides = array<i32>} : memref<224xf32, #tpu.memory_space<vmem>>, vector<16xf32>,
        %mul3A_742 = arith.mulf %convert_element_type3A_592, %get3A_741 : vector<16xf32>
        %sub3A_743 = arith.subf %scan3A_509#13, %mul3A_742 : vector<16xf32>
        %mul3A_744 = arith.mulf %sub3A_743, %gather3A_602 : vector<16xf32>
        %add3A_745 = arith.constant 1088 : i32
        %add3A_746 = vector.broadcast %add3A_745 : i32 to vector<16xi32>
        %add3A_747 = arith.addi %add3A_638, %add3A_746 : vector<16xi32>
        tpu.vector_store_idx %arg19[%add3A_747], %mul3A_739 : memref<4096xf32, #tpu.memory_space<vmem>>[vector<16xi32>], vector<16xf32>,
        %add3A_748 = arith.constant 1089 : i32
        %add3A_749 = vector.broadcast %add3A_748 : i32 to vector<16xi32>
        %add3A_750 = arith.addi %add3A_638, %add3A_749 : vector<16xi32>
        tpu.vector_store_idx %arg19[%add3A_750], %mul3A_744 : memref<4096xf32, #tpu.memory_space<vmem>>[vector<16xi32>], vector<16xf32>,
      }
      %scan3A_243 = arith.constant 16 : i32
      %get3A_244 = arith.index_cast %mul3A_184 : i32 to index
      %get3A_245 = tpu.vector_load %arg21[%get3A_244] {strides = array<i32>} : memref<512xi32, #tpu.memory_space<vmem>>, vector<16xi32>,
      %get3A_246 = arith.index_cast %mul3A_184 : i32 to index
      %get3A_247 = tpu.vector_load %arg22[%get3A_246] {strides = array<i32>} : memref<512xi32, #tpu.memory_space<vmem>>, vector<16xi32>,
      %get3A_248 = arith.index_cast %mul3A_184 : i32 to index
      %get3A_249 = tpu.vector_load %arg23[%get3A_248] {strides = array<i32>} : memref<512xi32, #tpu.memory_space<vmem>>, vector<16xi32>,
      %mul3A_250 = arith.constant 8 : i32
      %mul3A_251 = vector.broadcast %mul3A_250 : i32 to vector<16xi32>
      %mul3A_252 = arith.muli %get3A_245, %mul3A_251 : vector<16xi32>
      %add3A_253 = arith.constant 0 : i32
      %add3A_254 = vector.broadcast %add3A_253 : i32 to vector<16xi32>
      %add3A_255 = arith.addi %mul3A_252, %add3A_254 : vector<16xi32>
      %gather3A = tpu.vector_load_idx %arg27[%add3A_255] : memref<128xf32, #tpu.memory_space<vmem>>[vector<16xi32>], vector<16xf32>,
      %add3A_256 = arith.constant 1096 : i32
      %add3A_257 = vector.broadcast %add3A_256 : i32 to vector<16xi32>
      %add3A_258 = arith.addi %add3A_57, %add3A_257 : vector<16xi32>
      tpu.vector_store_idx %arg19[%add3A_258], %gather3A : memref<4096xf32, #tpu.memory_space<vmem>>[vector<16xi32>], vector<16xf32>,
      %mul3A_259 = arith.constant 8 : i32
      %mul3A_260 = vector.broadcast %mul3A_259 : i32 to vector<16xi32>
      %mul3A_261 = arith.muli %get3A_245, %mul3A_260 : vector<16xi32>
      %add3A_262 = arith.constant 1 : i32
      %add3A_263 = vector.broadcast %add3A_262 : i32 to vector<16xi32>
      %add3A_264 = arith.addi %mul3A_261, %add3A_263 : vector<16xi32>
      %gather3A_265 = tpu.vector_load_idx %arg27[%add3A_264] : memref<128xf32, #tpu.memory_space<vmem>>[vector<16xi32>], vector<16xf32>,
      %add3A_266 = arith.constant 1097 : i32
      %add3A_267 = vector.broadcast %add3A_266 : i32 to vector<16xi32>
      %add3A_268 = arith.addi %add3A_57, %add3A_267 : vector<16xi32>
      tpu.vector_store_idx %arg19[%add3A_268], %gather3A_265 : memref<4096xf32, #tpu.memory_space<vmem>>[vector<16xi32>], vector<16xf32>,
      %mul3A_269 = arith.constant 8 : i32
      %mul3A_270 = vector.broadcast %mul3A_269 : i32 to vector<16xi32>
      %mul3A_271 = arith.muli %get3A_245, %mul3A_270 : vector<16xi32>
      %add3A_272 = arith.constant 2 : i32
      %add3A_273 = vector.broadcast %add3A_272 : i32 to vector<16xi32>
      %add3A_274 = arith.addi %mul3A_271, %add3A_273 : vector<16xi32>
      %gather3A_275 = tpu.vector_load_idx %arg27[%add3A_274] : memref<128xf32, #tpu.memory_space<vmem>>[vector<16xi32>], vector<16xf32>,
      %add3A_276 = arith.constant 1098 : i32
      %add3A_277 = vector.broadcast %add3A_276 : i32 to vector<16xi32>
      %add3A_278 = arith.addi %add3A_57, %add3A_277 : vector<16xi32>
      tpu.vector_store_idx %arg19[%add3A_278], %gather3A_275 : memref<4096xf32, #tpu.memory_space<vmem>>[vector<16xi32>], vector<16xf32>,
      %mul3A_279 = arith.constant 8 : i32
      %mul3A_280 = vector.broadcast %mul3A_279 : i32 to vector<16xi32>
      %mul3A_281 = arith.muli %get3A_245, %mul3A_280 : vector<16xi32>
      %add3A_282 = arith.constant 3 : i32
      %add3A_283 = vector.broadcast %add3A_282 : i32 to vector<16xi32>
      %add3A_284 = arith.addi %mul3A_281, %add3A_283 : vector<16xi32>
      %gather3A_285 = tpu.vector_load_idx %arg27[%add3A_284] : memref<128xf32, #tpu.memory_space<vmem>>[vector<16xi32>], vector<16xf32>,
      %add3A_286 = arith.constant 1099 : i32
      %add3A_287 = vector.broadcast %add3A_286 : i32 to vector<16xi32>
      %add3A_288 = arith.addi %add3A_57, %add3A_287 : vector<16xi32>
      tpu.vector_store_idx %arg19[%add3A_288], %gather3A_285 : memref<4096xf32, #tpu.memory_space<vmem>>[vector<16xi32>], vector<16xf32>,
      %mul3A_289 = arith.constant 8 : i32
      %mul3A_290 = vector.broadcast %mul3A_289 : i32 to vector<16xi32>
      %mul3A_291 = arith.muli %get3A_245, %mul3A_290 : vector<16xi32>
      %add3A_292 = arith.constant 4 : i32
      %add3A_293 = vector.broadcast %add3A_292 : i32 to vector<16xi32>
      %add3A_294 = arith.addi %mul3A_291, %add3A_293 : vector<16xi32>
      %gather3A_295 = tpu.vector_load_idx %arg27[%add3A_294] : memref<128xf32, #tpu.memory_space<vmem>>[vector<16xi32>], vector<16xf32>,
      %add3A_296 = arith.constant 1100 : i32
      %add3A_297 = vector.broadcast %add3A_296 : i32 to vector<16xi32>
      %add3A_298 = arith.addi %add3A_57, %add3A_297 : vector<16xi32>
      tpu.vector_store_idx %arg19[%add3A_298], %gather3A_295 : memref<4096xf32, #tpu.memory_space<vmem>>[vector<16xi32>], vector<16xf32>,
      %mul3A_299 = arith.constant 8 : i32
      %mul3A_300 = vector.broadcast %mul3A_299 : i32 to vector<16xi32>
      %mul3A_301 = arith.muli %get3A_245, %mul3A_300 : vector<16xi32>
      %add3A_302 = arith.constant 5 : i32
      %add3A_303 = vector.broadcast %add3A_302 : i32 to vector<16xi32>
      %add3A_304 = arith.addi %mul3A_301, %add3A_303 : vector<16xi32>
      %gather3A_305 = tpu.vector_load_idx %arg27[%add3A_304] : memref<128xf32, #tpu.memory_space<vmem>>[vector<16xi32>], vector<16xf32>,
      %add3A_306 = arith.constant 1101 : i32
      %add3A_307 = vector.broadcast %add3A_306 : i32 to vector<16xi32>
      %add3A_308 = arith.addi %add3A_57, %add3A_307 : vector<16xi32>
      tpu.vector_store_idx %arg19[%add3A_308], %gather3A_305 : memref<4096xf32, #tpu.memory_space<vmem>>[vector<16xi32>], vector<16xf32>,
      %mul3A_309 = arith.constant 8 : i32
      %mul3A_310 = vector.broadcast %mul3A_309 : i32 to vector<16xi32>
      %mul3A_311 = arith.muli %get3A_245, %mul3A_310 : vector<16xi32>
      %add3A_312 = arith.constant 6 : i32
      %add3A_313 = vector.broadcast %add3A_312 : i32 to vector<16xi32>
      %add3A_314 = arith.addi %mul3A_311, %add3A_313 : vector<16xi32>
      %gather3A_315 = tpu.vector_load_idx %arg27[%add3A_314] : memref<128xf32, #tpu.memory_space<vmem>>[vector<16xi32>], vector<16xf32>,
      %add3A_316 = arith.constant 1102 : i32
      %add3A_317 = vector.broadcast %add3A_316 : i32 to vector<16xi32>
      %add3A_318 = arith.addi %add3A_57, %add3A_317 : vector<16xi32>
      tpu.vector_store_idx %arg19[%add3A_318], %gather3A_315 : memref<4096xf32, #tpu.memory_space<vmem>>[vector<16xi32>], vector<16xf32>,
      %mul3A_319 = arith.constant 8 : i32
      %mul3A_320 = vector.broadcast %mul3A_319 : i32 to vector<16xi32>
      %mul3A_321 = arith.muli %get3A_245, %mul3A_320 : vector<16xi32>
      %add3A_322 = arith.constant 7 : i32
      %add3A_323 = vector.broadcast %add3A_322 : i32 to vector<16xi32>
      %add3A_324 = arith.addi %mul3A_321, %add3A_323 : vector<16xi32>
      %gather3A_325 = tpu.vector_load_idx %arg27[%add3A_324] : memref<128xf32, #tpu.memory_space<vmem>>[vector<16xi32>], vector<16xf32>,
      %add3A_326 = arith.constant 1103 : i32
      %add3A_327 = vector.broadcast %add3A_326 : i32 to vector<16xi32>
      %add3A_328 = arith.addi %add3A_57, %add3A_327 : vector<16xi32>
      tpu.vector_store_idx %arg19[%add3A_328], %gather3A_325 : memref<4096xf32, #tpu.memory_space<vmem>>[vector<16xi32>], vector<16xf32>,
      %mul3A_329 = arith.constant 3 : i32
      %mul3A_330 = vector.broadcast %mul3A_329 : i32 to vector<16xi32>
      %mul3A_331 = arith.muli %get3A_247, %mul3A_330 : vector<16xi32>
      %add3A_332 = arith.constant 0 : i32
      %add3A_333 = vector.broadcast %add3A_332 : i32 to vector<16xi32>
      %add3A_334 = arith.addi %mul3A_331, %add3A_333 : vector<16xi32>
      %gather3A_335 = tpu.vector_load_idx %arg28[%add3A_334] : memref<21xf32, #tpu.memory_space<vmem>>[vector<16xi32>], vector<16xf32>,
      %add3A_336 = arith.constant 1104 : i32
      %add3A_337 = vector.broadcast %add3A_336 : i32 to vector<16xi32>
      %add3A_338 = arith.addi %add3A_57, %add3A_337 : vector<16xi32>
      tpu.vector_store_idx %arg19[%add3A_338], %gather3A_335 : memref<4096xf32, #tpu.memory_space<vmem>>[vector<16xi32>], vector<16xf32>,
      %mul3A_339 = arith.constant 3 : i32
      %mul3A_340 = vector.broadcast %mul3A_339 : i32 to vector<16xi32>
      %mul3A_341 = arith.muli %get3A_247, %mul3A_340 : vector<16xi32>
      %add3A_342 = arith.constant 1 : i32
      %add3A_343 = vector.broadcast %add3A_342 : i32 to vector<16xi32>
      %add3A_344 = arith.addi %mul3A_341, %add3A_343 : vector<16xi32>
      %gather3A_345 = tpu.vector_load_idx %arg28[%add3A_344] : memref<21xf32, #tpu.memory_space<vmem>>[vector<16xi32>], vector<16xf32>,
      %add3A_346 = arith.constant 1105 : i32
      %add3A_347 = vector.broadcast %add3A_346 : i32 to vector<16xi32>
      %add3A_348 = arith.addi %add3A_57, %add3A_347 : vector<16xi32>
      tpu.vector_store_idx %arg19[%add3A_348], %gather3A_345 : memref<4096xf32, #tpu.memory_space<vmem>>[vector<16xi32>], vector<16xf32>,
      %mul3A_349 = arith.constant 3 : i32
      %mul3A_350 = vector.broadcast %mul3A_349 : i32 to vector<16xi32>
      %mul3A_351 = arith.muli %get3A_247, %mul3A_350 : vector<16xi32>
      %add3A_352 = arith.constant 2 : i32
      %add3A_353 = vector.broadcast %add3A_352 : i32 to vector<16xi32>
      %add3A_354 = arith.addi %mul3A_351, %add3A_353 : vector<16xi32>
      %gather3A_355 = tpu.vector_load_idx %arg28[%add3A_354] : memref<21xf32, #tpu.memory_space<vmem>>[vector<16xi32>], vector<16xf32>,
      %add3A_356 = arith.constant 1106 : i32
      %add3A_357 = vector.broadcast %add3A_356 : i32 to vector<16xi32>
      %add3A_358 = arith.addi %add3A_57, %add3A_357 : vector<16xi32>
      tpu.vector_store_idx %arg19[%add3A_358], %gather3A_355 : memref<4096xf32, #tpu.memory_space<vmem>>[vector<16xi32>], vector<16xf32>,
      %mul3A_359 = arith.constant 8 : i32
      %mul3A_360 = vector.broadcast %mul3A_359 : i32 to vector<16xi32>
      %mul3A_361 = arith.muli %get3A_249, %mul3A_360 : vector<16xi32>
      %add3A_362 = arith.constant 0 : i32
      %add3A_363 = vector.broadcast %add3A_362 : i32 to vector<16xi32>
      %add3A_364 = arith.addi %mul3A_361, %add3A_363 : vector<16xi32>
      %gather3A_365 = tpu.vector_load_idx %arg29[%add3A_364] : memref<80000xf32, #tpu.memory_space<vmem>>[vector<16xi32>], vector<16xf32>,
      %add3A_366 = arith.constant 1107 : i32
      %add3A_367 = vector.broadcast %add3A_366 : i32 to vector<16xi32>
      %add3A_368 = arith.addi %add3A_57, %add3A_367 : vector<16xi32>
      tpu.vector_store_idx %arg19[%add3A_368], %gather3A_365 : memref<4096xf32, #tpu.memory_space<vmem>>[vector<16xi32>], vector<16xf32>,
      %mul3A_369 = arith.constant 8 : i32
      %mul3A_370 = vector.broadcast %mul3A_369 : i32 to vector<16xi32>
      %mul3A_371 = arith.muli %get3A_249, %mul3A_370 : vector<16xi32>
      %add3A_372 = arith.constant 1 : i32
      %add3A_373 = vector.broadcast %add3A_372 : i32 to vector<16xi32>
      %add3A_374 = arith.addi %mul3A_371, %add3A_373 : vector<16xi32>
      %gather3A_375 = tpu.vector_load_idx %arg29[%add3A_374] : memref<80000xf32, #tpu.memory_space<vmem>>[vector<16xi32>], vector<16xf32>,
      %add3A_376 = arith.constant 1108 : i32
      %add3A_377 = vector.broadcast %add3A_376 : i32 to vector<16xi32>
      %add3A_378 = arith.addi %add3A_57, %add3A_377 : vector<16xi32>
      tpu.vector_store_idx %arg19[%add3A_378], %gather3A_375 : memref<4096xf32, #tpu.memory_space<vmem>>[vector<16xi32>], vector<16xf32>,
      %mul3A_379 = arith.constant 8 : i32
      %mul3A_380 = vector.broadcast %mul3A_379 : i32 to vector<16xi32>
      %mul3A_381 = arith.muli %get3A_249, %mul3A_380 : vector<16xi32>
      %add3A_382 = arith.constant 2 : i32
      %add3A_383 = vector.broadcast %add3A_382 : i32 to vector<16xi32>
      %add3A_384 = arith.addi %mul3A_381, %add3A_383 : vector<16xi32>
      %gather3A_385 = tpu.vector_load_idx %arg29[%add3A_384] : memref<80000xf32, #tpu.memory_space<vmem>>[vector<16xi32>], vector<16xf32>,
      %add3A_386 = arith.constant 1109 : i32
      %add3A_387 = vector.broadcast %add3A_386 : i32 to vector<16xi32>
      %add3A_388 = arith.addi %add3A_57, %add3A_387 : vector<16xi32>
      tpu.vector_store_idx %arg19[%add3A_388], %gather3A_385 : memref<4096xf32, #tpu.memory_space<vmem>>[vector<16xi32>], vector<16xf32>,
      %mul3A_389 = arith.constant 8 : i32
      %mul3A_390 = vector.broadcast %mul3A_389 : i32 to vector<16xi32>
      %mul3A_391 = arith.muli %get3A_249, %mul3A_390 : vector<16xi32>
      %add3A_392 = arith.constant 3 : i32
      %add3A_393 = vector.broadcast %add3A_392 : i32 to vector<16xi32>
      %add3A_394 = arith.addi %mul3A_391, %add3A_393 : vector<16xi32>
      %gather3A_395 = tpu.vector_load_idx %arg29[%add3A_394] : memref<80000xf32, #tpu.memory_space<vmem>>[vector<16xi32>], vector<16xf32>,
      %add3A_396 = arith.constant 1110 : i32
      %add3A_397 = vector.broadcast %add3A_396 : i32 to vector<16xi32>
      %add3A_398 = arith.addi %add3A_57, %add3A_397 : vector<16xi32>
      tpu.vector_store_idx %arg19[%add3A_398], %gather3A_395 : memref<4096xf32, #tpu.memory_space<vmem>>[vector<16xi32>], vector<16xf32>,
      %mul3A_399 = arith.constant 8 : i32
      %mul3A_400 = vector.broadcast %mul3A_399 : i32 to vector<16xi32>
      %mul3A_401 = arith.muli %get3A_249, %mul3A_400 : vector<16xi32>
      %add3A_402 = arith.constant 4 : i32
      %add3A_403 = vector.broadcast %add3A_402 : i32 to vector<16xi32>
      %add3A_404 = arith.addi %mul3A_401, %add3A_403 : vector<16xi32>
      %gather3A_405 = tpu.vector_load_idx %arg29[%add3A_404] : memref<80000xf32, #tpu.memory_space<vmem>>[vector<16xi32>], vector<16xf32>,
      %add3A_406 = arith.constant 1111 : i32
      %add3A_407 = vector.broadcast %add3A_406 : i32 to vector<16xi32>
      %add3A_408 = arith.addi %add3A_57, %add3A_407 : vector<16xi32>
      tpu.vector_store_idx %arg19[%add3A_408], %gather3A_405 : memref<4096xf32, #tpu.memory_space<vmem>>[vector<16xi32>], vector<16xf32>,
      %mul3A_409 = arith.constant 8 : i32
      %mul3A_410 = vector.broadcast %mul3A_409 : i32 to vector<16xi32>
      %mul3A_411 = arith.muli %get3A_249, %mul3A_410 : vector<16xi32>
      %add3A_412 = arith.constant 5 : i32
      %add3A_413 = vector.broadcast %add3A_412 : i32 to vector<16xi32>
      %add3A_414 = arith.addi %mul3A_411, %add3A_413 : vector<16xi32>
      %gather3A_415 = tpu.vector_load_idx %arg29[%add3A_414] : memref<80000xf32, #tpu.memory_space<vmem>>[vector<16xi32>], vector<16xf32>,
      %add3A_416 = arith.constant 1112 : i32
      %add3A_417 = vector.broadcast %add3A_416 : i32 to vector<16xi32>
      %add3A_418 = arith.addi %add3A_57, %add3A_417 : vector<16xi32>
      tpu.vector_store_idx %arg19[%add3A_418], %gather3A_415 : memref<4096xf32, #tpu.memory_space<vmem>>[vector<16xi32>], vector<16xf32>,
      %mul3A_419 = arith.constant 8 : i32
      %mul3A_420 = vector.broadcast %mul3A_419 : i32 to vector<16xi32>
      %mul3A_421 = arith.muli %get3A_249, %mul3A_420 : vector<16xi32>
      %add3A_422 = arith.constant 6 : i32
      %add3A_423 = vector.broadcast %add3A_422 : i32 to vector<16xi32>
      %add3A_424 = arith.addi %mul3A_421, %add3A_423 : vector<16xi32>
      %gather3A_425 = tpu.vector_load_idx %arg29[%add3A_424] : memref<80000xf32, #tpu.memory_space<vmem>>[vector<16xi32>], vector<16xf32>,
      %add3A_426 = arith.constant 1113 : i32
      %add3A_427 = vector.broadcast %add3A_426 : i32 to vector<16xi32>
      %add3A_428 = arith.addi %add3A_57, %add3A_427 : vector<16xi32>
      tpu.vector_store_idx %arg19[%add3A_428], %gather3A_425 : memref<4096xf32, #tpu.memory_space<vmem>>[vector<16xi32>], vector<16xf32>,
      %mul3A_429 = arith.constant 8 : i32
      %mul3A_430 = vector.broadcast %mul3A_429 : i32 to vector<16xi32>
      %mul3A_431 = arith.muli %get3A_249, %mul3A_430 : vector<16xi32>
      %add3A_432 = arith.constant 7 : i32
      %add3A_433 = vector.broadcast %add3A_432 : i32 to vector<16xi32>
      %add3A_434 = arith.addi %mul3A_431, %add3A_433 : vector<16xi32>
      %gather3A_435 = tpu.vector_load_idx %arg29[%add3A_434] : memref<80000xf32, #tpu.memory_space<vmem>>[vector<16xi32>], vector<16xf32>,
      %add3A_436 = arith.constant 1114 : i32
      %add3A_437 = vector.broadcast %add3A_436 : i32 to vector<16xi32>
      %add3A_438 = arith.addi %add3A_57, %add3A_437 : vector<16xi32>
      tpu.vector_store_idx %arg19[%add3A_438], %gather3A_435 : memref<4096xf32, #tpu.memory_space<vmem>>[vector<16xi32>], vector<16xf32>,
      %add3A_439 = arith.constant 1115 : i32
      %add3A_440 = vector.broadcast %add3A_439 : i32 to vector<16xi32>
      %add3A_441 = arith.addi %add3A_57, %add3A_440 : vector<16xi32>
      %get3A_442 = arith.index_cast %mul3A_184 : i32 to index
      %get3A_443 = tpu.vector_load %arg24[%get3A_442] {strides = array<i32>} : memref<512xf32, #tpu.memory_space<vmem>>, vector<16xf32>,
      tpu.vector_store_idx %arg19[%add3A_441], %get3A_443 : memref<4096xf32, #tpu.memory_space<vmem>>[vector<16xi32>], vector<16xf32>,
      %add3A_444 = arith.constant 1116 : i32
      %add3A_445 = vector.broadcast %add3A_444 : i32 to vector<16xi32>
      %add3A_446 = arith.addi %add3A_57, %add3A_445 : vector<16xi32>
      %get3A_447 = arith.index_cast %mul3A_184 : i32 to index
      %get3A_448 = tpu.vector_load %arg25[%get3A_447] {strides = array<i32>} : memref<512xf32, #tpu.memory_space<vmem>>, vector<16xf32>,
      tpu.vector_store_idx %arg19[%add3A_446], %get3A_448 : memref<4096xf32, #tpu.memory_space<vmem>>[vector<16xi32>], vector<16xf32>,
      %add3A_449 = arith.constant 1117 : i32
      %add3A_450 = vector.broadcast %add3A_449 : i32 to vector<16xi32>
      %add3A_451 = arith.addi %add3A_57, %add3A_450 : vector<16xi32>
      %get3A_452 = arith.index_cast %mul3A_184 : i32 to index
      %get3A_453 = tpu.vector_load %arg26[%get3A_452] {strides = array<i32>} : memref<512xf32, #tpu.memory_space<vmem>>, vector<16xf32>,
      tpu.vector_store_idx %arg19[%add3A_451], %get3A_453 : memref<4096xf32, #tpu.memory_space<vmem>>[vector<16xi32>], vector<16xf32>,
      %mul3A_454 = arith.constant 256 : i32
      %mul3A_455 = arith.muli %add3A_182, %mul3A_454 : i32
      "tpu.region"() ({
        %run_scoped3A = tpu.sem_alloc : memref<!tpu.dma_semaphore, #tpu.memory_space<semaphore_mem>>
        %dma_start3A_456 = tpu.memref_slice %arg15[%mul3A_455] : memref<4194304xf32, #tpu.memory_space<hbm>> -> memref<4096xf32, #tpu.memory_space<hbm>>
        %dma_start3A_457 = tpu.memref_slice %arg15[%mul3A_455] : memref<4194304xf32, #tpu.memory_space<hbm>> -> memref<4096xf32, #tpu.memory_space<hbm>>
        tpu.enqueue_dma source(%arg19 : memref<4096xf32, #tpu.memory_space<vmem>>) target(%dma_start3A_457 : memref<4096xf32, #tpu.memory_space<hbm>>) target_semaphore(%run_scoped3A : memref<!tpu.dma_semaphore, #tpu.memory_space<semaphore_mem>>)
        %dma_wait3A = tpu.memref_slice %arg15[%mul3A_455] : memref<4194304xf32, #tpu.memory_space<hbm>> -> memref<4096xf32, #tpu.memory_space<hbm>>
        %dma_wait3A_458 = tpu.memref_slice %arg15[%mul3A_455] : memref<4194304xf32, #tpu.memory_space<hbm>> -> memref<4096xf32, #tpu.memory_space<hbm>>
        tpu.wait_dma2 semaphore(%run_scoped3A : memref<!tpu.dma_semaphore, #tpu.memory_space<semaphore_mem>>) src(%arg19 : memref<4096xf32, #tpu.memory_space<vmem>>) dst(%dma_wait3A_458 : memref<4096xf32, #tpu.memory_space<hbm>>)
        tpu.yield
      }) : () -> ()
    }
    %scan3A_178 = arith.constant 32 : i32
    return
  }
}

module attributes {stable_mosaic.version = 14 : i64} {
  func.func @_tr_body(%arg0: i32, %arg1: memref<200x2048xf32, #tpu.memory_space<vmem>>, %arg2: memref<2048x128xf32, #tpu.memory_space<vmem>>) attributes {dimension_semantics = [#tpu.dimension_semantics<arbitrary>], iteration_bounds = array<i64: 49>, scalar_prefetch = 0 : i64, scratch_operands = 0 : i64, tpu.core_type = #tpu.core_type<tc>, window_params = [{transform_indices = @transform_0, window_bounds = array<i64: 200, 2048>}, {transform_indices = @transform_1, window_bounds = array<i64: 2048, 128>}]} {
    %get3A = arith.constant 0 : index
    %get3A_0 = arith.constant 0 : index
    %get3A_1 = vector.load %arg1[%get3A, %get3A_0] : memref<200x2048xf32, #tpu.memory_space<vmem>>, vector<200x2048xf32>
    %transpose3A = tpu.transpose %get3A_1, [1, 0] : vector<200x2048xf32> -> vector<2048x200xf32>
    %broadcast_in_dim3A = arith.constant 0.000000e+00 : f32
    %broadcast_in_dim3A_2 = vector.broadcast %broadcast_in_dim3A : f32 to vector<2048x24xf32>
    %concatenate3A = tpu.concatenate %transpose3A, %broadcast_in_dim3A_2 in 1 : vector<2048x200xf32>, vector<2048x24xf32> -> vector<2048x224xf32>
    %iota3A = tpu.iota {dimensions = array<i32: 0>} : vector<224x112xi32>
    %iota3A_3 = tpu.iota {dimensions = array<i32: 1>} : vector<224x112xi32>
    %mul3A = arith.constant 2 : i32
    %mul3A_4 = vector.broadcast %mul3A : i32 to vector<224x112xi32>
    %mul3A_5 = arith.muli %mul3A_4, %iota3A_3 : vector<224x112xi32>
    %eq3A = arith.cmpi eq, %iota3A, %mul3A_5 : vector<224x112xi32>
    %convert_element_type3A = arith.extui %eq3A : vector<224x112xi1> to vector<224x112xi32>
    %convert_element_type3A_6 = arith.sitofp %convert_element_type3A : vector<224x112xi32> to vector<224x112xf32>
    %dot_general3A = arith.constant dense<0.000000e+00> : vector<2048x112xf32>
    %dot_general3A_7 = tpu.matmul %concatenate3A, %convert_element_type3A_6, %dot_general3A {dimension_numbers = #tpu.dot_dimension_numbers<[1], [0], [0], [1], [0, 0, 1, 1], [], []>, transpose_lhs_hint = false} : vector<2048x224xf32>, vector<224x112xf32>, vector<2048x112xf32> -> vector<2048x112xf32>
    %mul3A_8 = arith.constant 2 : i32
    %mul3A_9 = vector.broadcast %mul3A_8 : i32 to vector<224x112xi32>
    %mul3A_10 = arith.muli %mul3A_9, %iota3A_3 : vector<224x112xi32>
    %add3A = arith.constant 1 : i32
    %add3A_11 = vector.broadcast %add3A : i32 to vector<224x112xi32>
    %add3A_12 = arith.addi %mul3A_10, %add3A_11 : vector<224x112xi32>
    %eq3A_13 = arith.cmpi eq, %iota3A, %add3A_12 : vector<224x112xi32>
    %convert_element_type3A_14 = arith.extui %eq3A_13 : vector<224x112xi1> to vector<224x112xi32>
    %convert_element_type3A_15 = arith.sitofp %convert_element_type3A_14 : vector<224x112xi32> to vector<224x112xf32>
    %dot_general3A_16 = arith.constant dense<0.000000e+00> : vector<2048x112xf32>
    %dot_general3A_17 = tpu.matmul %concatenate3A, %convert_element_type3A_15, %dot_general3A_16 {dimension_numbers = #tpu.dot_dimension_numbers<[1], [0], [0], [1], [0, 0, 1, 1], [], []>, transpose_lhs_hint = false} : vector<2048x224xf32>, vector<224x112xf32>, vector<2048x112xf32> -> vector<2048x112xf32>
    %convert_element_type3A_18 = arith.truncf %dot_general3A_7 : vector<2048x112xf32> to vector<2048x112xbf16>
    %bitcast_convert_type3A = tpu.bitcast %convert_element_type3A_18 : vector<2048x112xbf16> -> vector<2048x112xi16>
    %convert_element_type3A_19 = arith.truncf %dot_general3A_17 : vector<2048x112xf32> to vector<2048x112xbf16>
    %bitcast_convert_type3A_20 = tpu.bitcast %convert_element_type3A_19 : vector<2048x112xbf16> -> vector<2048x112xi16>
    %convert_element_type3A_21 = arith.extui %bitcast_convert_type3A : vector<2048x112xi16> to vector<2048x112xi32>
    %convert_element_type3A_22 = arith.extui %bitcast_convert_type3A_20 : vector<2048x112xi16> to vector<2048x112xi32>
    %shift_left3A = arith.constant 16 : i32
    %shift_left3A_23 = vector.broadcast %shift_left3A : i32 to vector<2048x112xi32>
    %shift_left3A_24 = arith.shli %convert_element_type3A_22, %shift_left3A_23 : vector<2048x112xi32>
    %or3A = arith.ori %convert_element_type3A_21, %shift_left3A_24 : vector<2048x112xi32>
    %broadcast_in_dim3A_25 = arith.constant 0 : i32
    %broadcast_in_dim3A_26 = vector.broadcast %broadcast_in_dim3A_25 : i32 to vector<2048x16xi32>
    %concatenate3A_27 = tpu.concatenate %or3A, %broadcast_in_dim3A_26 in 1 : vector<2048x112xi32>, vector<2048x16xi32> -> vector<2048x128xi32>
    %bitcast_convert_type3A_28 = tpu.bitcast %concatenate3A_27 : vector<2048x128xi32> -> vector<2048x128xf32>
    %swap3A = arith.constant 0 : index
    %swap3A_29 = arith.constant 0 : index
    %swap3A_30 = vector.load %arg2[%swap3A, %swap3A_29] : memref<2048x128xf32, #tpu.memory_space<vmem>>, vector<2048x128xf32>
    tpu.vector_store %arg2[%swap3A, %swap3A_29], %bitcast_convert_type3A_28 {strides = array<i32>} : memref<2048x128xf32, #tpu.memory_space<vmem>>, vector<2048x128xf32>,
    return
  }
  func.func @transform_0(%arg0: i32) -> (i32, i32) {
    %c0_i32 = arith.constant 0 : i32
    %c0_i32_0 = arith.constant 0 : i32
    return %c0_i32, %arg0 : i32, i32
  }
  func.func @transform_1(%arg0: i32) -> (i32, i32) {
    %c0_i32 = arith.constant 0 : i32
    %c0_i32_0 = arith.constant 0 : i32
    return %arg0, %c0_i32 : i32, i32
  }
}

module attributes {stable_mosaic.version = 14 : i64} {
  func.func @_mlp_body(%arg0: i32, %arg1: memref<4096x128xf32, #tpu.memory_space<vmem>>, %arg2: memref<128x128xf32, #tpu.memory_space<vmem>>, %arg3: memref<64xf32, #tpu.memory_space<vmem>>, %arg4: memref<64xf32, #tpu.memory_space<vmem>>, %arg5: memref<1xf32, #tpu.memory_space<vmem>>, %arg6: memref<4096xf32, #tpu.memory_space<vmem>>) attributes {dimension_semantics = [#tpu.dimension_semantics<arbitrary>], iteration_bounds = array<i64: 8>, scalar_prefetch = 0 : i64, scratch_operands = 0 : i64, tpu.core_type = #tpu.core_type<tc>, window_params = [{transform_indices = @transform_0, window_bounds = array<i64: 4096, 128>}, {pipeline_mode = #tpu.pipeline_mode<synchronous>, transform_indices = @transform_1, window_bounds = array<i64: 128, 128>}, {pipeline_mode = #tpu.pipeline_mode<synchronous>, transform_indices = @transform_2, window_bounds = array<i64: 64>}, {pipeline_mode = #tpu.pipeline_mode<synchronous>, transform_indices = @transform_3, window_bounds = array<i64: 64>}, {pipeline_mode = #tpu.pipeline_mode<synchronous>, transform_indices = @transform_4, window_bounds = array<i64: 1>}, {transform_indices = @transform_5, window_bounds = array<i64: 4096>}]} {
    %get3A = arith.constant 0 : index
    %get3A_0 = arith.constant 0 : index
    %get3A_1 = vector.load %arg1[%get3A, %get3A_0] : memref<4096x128xf32, #tpu.memory_space<vmem>>, vector<4096x128xf32>
    %get3A_2 = arith.constant 0 : index
    %get3A_3 = arith.constant 0 : index
    %get3A_4 = vector.load %arg2[%get3A_2, %get3A_3] : memref<128x128xf32, #tpu.memory_space<vmem>>, vector<128x128xf32>
    %dot_general3A = arith.constant dense<0.000000e+00> : vector<4096x128xf32>
    %dot_general3A_5 = tpu.matmul %get3A_1, %get3A_4, %dot_general3A {dimension_numbers = #tpu.dot_dimension_numbers<[1], [0], [0], [1], [0, 0, 1, 1], [], []>, transpose_lhs_hint = false} : vector<4096x128xf32>, vector<128x128xf32>, vector<4096x128xf32> -> vector<4096x128xf32>
    %slice3A = vector.extract_strided_slice %dot_general3A_5 {offsets = [0, 0], sizes = [4088, 64], strides = [1, 1]} : vector<4096x128xf32> to vector<4088x64xf32>
    %slice3A_6 = vector.extract_strided_slice %dot_general3A_5 {offsets = [8, 64], sizes = [4088, 64], strides = [1, 1]} : vector<4096x128xf32> to vector<4088x64xf32>
    %add3A = arith.addf %slice3A, %slice3A_6 : vector<4088x64xf32>
    %get3A_7 = arith.constant 0 : index
    %get3A_8 = vector.load %arg3[%get3A_7] : memref<64xf32, #tpu.memory_space<vmem>>, vector<64xf32>
    %broadcast_in_dim3A = vector.shape_cast %get3A_8 : vector<64xf32> to vector<1x64xf32>
    %add3A_9 = vector.broadcast %broadcast_in_dim3A : vector<1x64xf32> to vector<4088x64xf32>
    %add3A_10 = arith.addf %add3A, %add3A_9 : vector<4088x64xf32>
    %max3A = arith.constant 0.000000e+00 : f32
    %max3A_11 = vector.broadcast %max3A : f32 to vector<4088x64xf32>
    %max3A_12 = arith.maximumf %add3A_10, %max3A_11 : vector<4088x64xf32>
    %get3A_13 = arith.constant 0 : index
    %get3A_14 = vector.load %arg4[%get3A_13] : memref<64xf32, #tpu.memory_space<vmem>>, vector<64xf32>
    %broadcast_in_dim3A_15 = vector.shape_cast %get3A_14 : vector<64xf32> to vector<1x64xf32>
    %mul3A = vector.broadcast %broadcast_in_dim3A_15 : vector<1x64xf32> to vector<4088x64xf32>
    %mul3A_16 = arith.mulf %max3A_12, %mul3A : vector<4088x64xf32>
    %reduce_sum3A = arith.constant dense<0.000000e+00> : vector<4088xf32>
    %reduce_sum3A_17 = vector.multi_reduction <add>, %mul3A_16, %reduce_sum3A [1] : vector<4088x64xf32> to vector<4088xf32>
    %get3A_18 = arith.constant 0 : index
    %get3A_19 = vector.load %arg5[%get3A_18] : memref<1xf32, #tpu.memory_space<vmem>>, vector<1xf32>
    %add3A_20 = vector.broadcast %get3A_19 : vector<1xf32> to vector<4088xf32>
    %add3A_21 = arith.addf %reduce_sum3A_17, %add3A_20 : vector<4088xf32>
    %broadcast_in_dim3A_22 = arith.constant 0.000000e+00 : f32
    %broadcast_in_dim3A_23 = vector.broadcast %broadcast_in_dim3A_22 : f32 to vector<8xf32>
    %concatenate3A = tpu.concatenate %add3A_21, %broadcast_in_dim3A_23 in 0 : vector<4088xf32>, vector<8xf32> -> vector<4096xf32>
    %swap3A = arith.constant 0 : index
    %swap3A_24 = vector.load %arg6[%swap3A] : memref<4096xf32, #tpu.memory_space<vmem>>, vector<4096xf32>
    tpu.vector_store %arg6[%swap3A], %concatenate3A {strides = array<i32>} : memref<4096xf32, #tpu.memory_space<vmem>>, vector<4096xf32>,
    return
  }
  func.func @transform_0(%arg0: i32) -> (i32, i32) {
    %c0_i32 = arith.constant 0 : i32
    %c0_i32_0 = arith.constant 0 : i32
    return %arg0, %c0_i32 : i32, i32
  }
  func.func @transform_1(%arg0: i32) -> (i32, i32) {
    %c0_i32 = arith.constant 0 : i32
    %c0_i32_0 = arith.constant 0 : i32
    %c0_i32_1 = arith.constant 0 : i32
    return %c0_i32, %c0_i32_0 : i32, i32
  }
  func.func @transform_2(%arg0: i32) -> i32 {
    %c0_i32 = arith.constant 0 : i32
    %c0_i32_0 = arith.constant 0 : i32
    return %c0_i32 : i32
  }
  func.func @transform_3(%arg0: i32) -> i32 {
    %c0_i32 = arith.constant 0 : i32
    %c0_i32_0 = arith.constant 0 : i32
    return %c0_i32 : i32
  }
  func.func @transform_4(%arg0: i32) -> i32 {
    %c0_i32 = arith.constant 0 : i32
    %c0_i32_0 = arith.constant 0 : i32
    return %c0_i32 : i32
  }
  func.func @transform_5(%arg0: i32) -> i32 {
    %c0_i32 = arith.constant 0 : i32
    return %arg0 : i32
  }
}

</mosaic_0001>

<sc_bundles>
// kernel: kernel.5.cloned.1.call-start
scs
__scs_entry_jumppad:
0x0: {  	(pc) =	sbr.rel $0x88, $3  }
0x1: {  	(tag) =	ssettag $0x0;
	lr =	simm.s32 $0x1  }
0x2: {  	[smem:$0x3F91] =	sst lr;
	_ =	strace $0xD0000000  }
0x3: {  	_ = 	snop  }
0x4: {  	_ = 	snop  }
0x5: {  	_ = 	snop  }
0x6: {  	_ = 	snop  }
0x7: {  	_ = 	snop  }
__scs_overlays_trampoline_lowered:
0x8: {  	[smem:$0x3FA0] =	sst s0  }
0x9: {  	[smem:$0x3FA1] =	sst s1  }
0xa: {  	[smem:$0x3FA2] =	sst s2  }
0xb: {  	[smem:$0x3FA3] =	sst s3  }
0xc: {  	[smem:$0x3FA4] =	sst s4  }
0xd: {  	[smem:$0x3FA5] =	sst s5  }
0xe: {  	[smem:$0x3FA6] =	sst s6  }
0xf: {  	[smem:$0x3FA7] =	sst s7  }
0x10: {  	[smem:$0x3FA8] =	sst s8  }
0x11: {  	[smem:$0x3FA9] =	sst s9;
	s0 =	simm.s32 @!p0 $0x0  }
0x12: {  	s1 =	sld [smem:$0x3F8F];
	s0 =	simm.s32 @p0 $0x1  }
0x13: {  	[smem:$0x3FAA] =	sst s0;
	s0 =	simm.s32 @!p1 $0x0  }
0x14: {  	s2 =	sld [smem:$0x3F8E];
	s0 =	simm.s32 @p1 $0x1  }
0x15: {  	[smem:$0x3FAB] =	sst s0;
	s0 =	simm.s32 @!p2 $0x0  }
0x16: {  	s3 =	sld [smem:$0x3FDB];
	s0 =	simm.s32 @p2 $0x1  }
0x17: {  	s4 =	simm.s32 $0x1BF5;
	[smem:$0x3FAD] =	sst s0  }
0x18: {  	s0 =	sld [smem:$0x3F90];
	_ =	swait.ge [sflag:s4], $0x0  }
0x19: {  	s7 =	sld [smem:$0x3F91]  }
0x1a: {  	s8 =	sadd.s32 $0xFFFFE003, lr  }
0x1b: {  	s9 =	sadd.s32 $0xFFFFFEF7, lr;
	s5 =	simm.s32 $0xFFFFFFFF;
	p2 =	slt.u32 s8, $0xFFFFF086  }
0x1c: {  	p1 =	slt.u32 s9, $0xF7A;
	s5 =	simm.s32 @!p2 $0x0  }
0x1d: {  	s5 =	simm.s32 @p1 $0x1;
	p0 =	seq.s32 s7, s2  }
0x1e: {  	s7 =	smul.u32 @!p0 $0xF7A, s2;
	p2 =	seq.s32 @!p0 s5, $0x0  }
0x1f: {  	s9 =	smul.u32 $0xF7A, s1;
	s8 =	simm.s32 @!p0 $0x1BF5;
	p2 =	por !p2, p0  }
0x20: {  	[sflag:s8] =	ssyncset.s32 @!p0 $0xFFFFF086;
	s6 =	sadd.s32 @!p0 s3, s7;
	s7 =	simm.s32 @!p0 $0x108  }
0x21: {  	s3 =	sadd.s32 s3, s9;
	s6 =	sadd.s32 @!p0 $0x88, s6;
	s7 =	simm.s32 @p2 $0x1082  }
0x22: {  	[simem:s7], [sflag:s8] =	dma.local @!p0 [hbm:s6], $0xF7A  }
0x23: {  	s9 =	sor.u32 $0xD0000000, s2;
	s6 =	simm.s32 $0x108;
	_ =	swait.ge @!p0 [sflag:s8], $0x0  }
0x24: {  	s3 =	sadd.s32 $0x88, s3;
	s6 =	simm.s32 @!p1 $0x1082;
	[sflag:s4] =	ssyncset.s32 $0xFFFFF086  }
0x25: {  	[simem:s6], [sflag:s4] =	dma.local [hbm:s3], $0xF7A  }
0x26: {  	[smem:$0x3F91] =	sst s1;
	(tag) =	ssettag s2;
	_ =	strace s9  }
0x27: {  	s1 =	sld [smem:$0x3FA1]  }
0x28: {  	s2 =	sld [smem:$0x3FA2]  }
0x29: {  	s4 =	sld [smem:$0x3FA4]  }
0x2a: {  	p0 =	seq.s32 s5, $0x0;
	s5 =	sld [smem:$0x3FA5]  }
0x2b: {  	s6 =	sld [smem:$0x3FA6]  }
0x2c: {  	s7 =	sld [smem:$0x3FA7]  }
0x2d: {  	s3 =	simm.s32 $0x108;
	s8 =	sld [smem:$0x3FA8]  }
0x2e: {  	s3 =	simm.s32 @!p0 $0x1082;
	s9 =	sld [smem:$0x3FA9]  }
0x2f: {  	lr =	sadd.s32 s0, s3;
	s0 =	sld [smem:$0x3FA0]  }
0x30: {  	s3 =	sld [smem:$0x3FA3]  }
0x31: {  	[smem:$0x3FAC] =	sst s10  }
0x32: {  	s10 =	sld [smem:$0x3FAA];
	_ =	sdelay $0x3  }
0x33: {  	p0 =	seq.s32 s10, $0x1;
	s10 =	sld [smem:$0x3FAC];
	_ =	sdelay $0x3  }
0x34: {  	[smem:$0x3FAC] =	sst s10  }
0x35: {  	s10 =	sld [smem:$0x3FAB];
	_ =	sdelay $0x3  }
0x36: {  	p1 =	seq.s32 s10, $0x1;
	s10 =	sld [smem:$0x3FAC];
	_ =	sdelay $0x3  }
0x37: {  	[smem:$0x3FAC] =	sst s10  }
0x38: {  	s10 =	sld [smem:$0x3FAD]  }
0x39: {  	_ = 	snop;
	(pc) =	sbr.ind lr, $3  }
0x3a: {  	_ = 	snop  }
0x3b: {  	_ = 	snop  }
0x3c: {  	p2 =	seq.s32 s10, $0x1;
	s10 =	sld [smem:$0x3FAC]  }
0x3d: {  	_ =	shalt  }
0x3e: {  	_ =	shalt  }
0x3f: {  	_ =	shalt  }
0x40: {  	_ =	shalt  }
0x41: {  	_ =	shalt  }
0x42: {  	_ =	shalt  }
0x43: {  	_ =	shalt  }
0x44: {  	_ =	shalt  }
0x45: {  	_ =	shalt  }
0x46: {  	_ =	shalt  }
0x47: {  	_ =	shalt  }
0x48: {  	_ =	shalt  }
0x49: {  	_ =	shalt  }
0x4a: {  	_ =	shalt  }
0x4b: {  	_ =	shalt  }
0x4c: {  	_ =	shalt  }
0x4d: {  	_ =	shalt  }
0x4e: {  	_ =	shalt  }
0x4f: {  	_ =	shalt  }
0x50: {  	_ =	shalt  }
0x51: {  	_ =	shalt  }
0x52: {  	_ =	shalt  }
0x53: {  	_ =	shalt  }
0x54: {  	_ =	shalt  }
0x55: {  	_ =	shalt  }
0x56: {  	_ =	shalt  }
0x57: {  	_ =	shalt  }
0x58: {  	_ =	shalt  }
0x59: {  	_ =	shalt  }
0x5a: {  	_ =	shalt  }
0x5b: {  	_ =	shalt  }
0x5c: {  	_ =	shalt  }
0x5d: {  	_ =	shalt  }
0x5e: {  	_ =	shalt  }
0x5f: {  	_ =	shalt  }
0x60: {  	_ =	shalt  }
0x61: {  	_ =	shalt  }
0x62: {  	_ =	shalt  }
0x63: {  	_ =	shalt  }
0x64: {  	_ =	shalt  }
0x65: {  	_ =	shalt  }
0x66: {  	_ =	shalt  }
0x67: {  	_ =	shalt  }
0x68: {  	_ =	shalt  }
0x69: {  	_ =	shalt  }
0x6a: {  	_ =	shalt  }
0x6b: {  	_ =	shalt  }
0x6c: {  	_ =	shalt  }
0x6d: {  	_ =	shalt  }
0x6e: {  	_ =	shalt  }
0x6f: {  	_ =	shalt  }
0x70: {  	_ =	shalt  }
0x71: {  	_ =	shalt  }
0x72: {  	_ =	shalt  }
0x73: {  	_ =	shalt  }
0x74: {  	_ =	shalt  }
0x75: {  	_ =	shalt  }
0x76: {  	_ =	shalt  }
0x77: {  	_ =	shalt  }
0x78: {  	_ =	shalt  }
0x79: {  	_ =	shalt  }
0x7a: {  	_ =	shalt  }
0x7b: {  	_ =	shalt  }
0x7c: {  	_ =	shalt  }
0x7d: {  	_ =	shalt  }
0x7e: {  	_ =	shalt  }
0x7f: {  	_ =	shalt  }
0x80: {  	_ =	shalt  }
0x81: {  	_ =	shalt  }
0x82: {  	_ =	shalt  }
0x83: {  	_ =	shalt  }
0x84: {  	_ =	shalt  }
0x85: {  	_ =	shalt  }
0x86: {  	_ =	shalt  }
0x87: {  	_ =	shalt  }
.Lfunc_end0:
.L_simem_size_0:
called_computation_lowered:
.L_overlay_start_0:
0x88: {  	s2 =	sld [smem:$0x3FD9]  }
0x89: {  	s3 =	sld [smem:$0x3FFE];
	_ =	sdelay $0x1  }
0x8a: {  	s1 =	srdreg.scid  }
0x8b: {  	s0 =	sand.u32 $0x1, s1  }
0x8c: {  	s17 =	sshll.u32 s0, $0xA;
	s2 =	sadd.s32 s3, s2  }
0x8d: {  	s2 =	sadd.s32 s2, s17  }
0x8e: {  	[smem:$0x3FB8] =	sst s2  }
0x8f: {  	_ = 	snop  }
0x90: {  	s2 =	sld [smem:$0x3FC8]  }
0x91: {  	s18 =	sld [smem:$0x3FC7]  }
0x92: {  	s4 =	sld [smem:$0x3FC6]  }
0x93: {  	s5 =	sld [smem:$0x3FC5]  }
0x94: {  	s6 =	sld [smem:$0x3FC4]  }
0x95: {  	s7 =	sld [smem:$0x3FC3]  }
0x96: {  	s8 =	sld [smem:$0x3FC2]  }
0x97: {  	s9 =	sld [smem:$0x3FD0];
	(tm) =	ssettm $0x1  }
0x98: {  	s10 =	sld [smem:$0x3FFB];
	_ =	sdelay $0x3  }
0x99: {  	_ =	strace s10  }
0x9a: {  	s10 =	sld [smem:$0x3FFC];
	_ =	sdelay $0x3  }
0x9b: {  	_ =	strace s10  }
0x9c: {  	s10 =	sld [smem:$0x3FFD];
	_ =	sdelay $0x3  }
0x9d: {  	_ =	strace s10  }
0x9e: {  	_ =	strace $0x8FFFFFFF  }
0x9f: {  	s19 =	sld [smem:$0x3FDB];
	_ =	sdelay $0x1  }
0xa0: {  	s11 =	simm.s32 $_scs_section_size  }
0xa1: {  	s12 =	simm.s32 $_size__tile_overlayer_lowered;
	s13 =	simm.s32 $_tile_overlayer_lowered  }
0xa2: {  	s22 =	simm.s32 $0x1BFF;
	s21 =	sshll.u32 s13, $0x1;
	s10 =	sadd.s32 s11, s19  }
0xa3: {  	s14 =	simm.s32 $0x0;
	s20 =	sshll.u32 s12, $0x1;
	s12 =	sadd.s32 s21, s10  }
0xa4: {  	[timem:s14], [sflag:s22] =	dma.local [hbm:s12], s20  }
0xa5: {  	_ =	swait.ge [sflag:s22], s20  }
0xa6: {  	s11 =	ssub.s32 $0x0, s20;
	[sflag:s22] =	ssyncset.done $0x0  }
0xa7: {  	[sflag:s22] =	ssyncadd.s32 s11;
	_ =	sdelay $0x1  }
0xa8: {  	s23 =	simm.s32 $0x1B8B  }
0xa9: {  	_ =	swait.ge [sflag:s23], $0x1  }
0xaa: {  	[sflag:s23] =	ssyncset.done $0x0  }
0xab: {  	s25 =	simm.s32 $0x1B8E;
	s24 =	sld [smem:$0x3FFE];
	[sflag:s23] =	ssyncadd.s32 $0xFFFFFFFF  }
0xac: {  	s26 =	simm.s32 $execute0_lowered;
	[smem:$0x3FD2] =	sst s25  }
0xad: {  	s12 =	sshll.u32 s26, $0x1;
	_ =	strace $0x80000046;
	[dreg:$0x1] =	wrdreg $0xFFFFFFFF  }
0xae: {  	s28 =	simm.s32 $_size_execute0_lowered;
	s10 =	sadd.s32 s10, s12;
	[dreg:$0x0] =	wrdreg $0x0  }
0xaf: {  	s12 =	sshll.u32 s28, $0x1;
	[dreg:$0x2] =	wrdreg s10  }
0xb0: {  	[dreg:$0x3] =	wrdreg s12  }
0xb1: {  	[dreg:$0x4] =	wrdreg $0xC0  }
0xb2: {  	_ =	task [dreg:s14], $0x5FFFF  }
0xb3: {  	[dreg:$0x1] =	wrdreg $0xFFFFFFFF  }
0xb4: {  	[dreg:$0x0] =	wrdreg $0x60  }
0xb5: {  	[dreg:$0x2] =	wrdreg s24  }
0xb6: {  	[dreg:$0x3] =	wrdreg s2  }
0xb7: {  	[dreg:$0x4] =	wrdreg s18  }
0xb8: {  	[dreg:$0x5] =	wrdreg s4  }
0xb9: {  	[dreg:$0x6] =	wrdreg s5  }
0xba: {  	[dreg:$0x7] =	wrdreg s6  }
0xbb: {  	[dreg:$0x8] =	wrdreg s7  }
0xbc: {  	[dreg:$0x9] =	wrdreg s8  }
0xbd: {  	[dreg:$0xa] =	wrdreg s9  }
0xbe: {  	[dreg:$0xb] =	wrdreg $0x9  }
0xbf: {  	_ =	task.clear_ibuf [dreg:s14], $0xCFFFF;
	_ =	strace $0x90000046  }
0xc0: {  	s29 =	simm.s32 $0x9;
	_ =	strace $0x80000048  }
0xc1: {  	_ =	swait.ge [sflag:s29], $0x1  }
0xc2: {  	[sflag:s29] =	ssyncadd.s32 $0xFFFFFFFF  }
0xc3: {  	_ =	strace $0x90000048  }
0xc4: {  	_ =	sfence  }
0xc5: {  	s30 =	sld [smem:$0x0];
	_ =	sdelay $0x2  }
0xc6: {  	s31 =	sshll.u32 s1, $0xD;
	s1 =	sshrl.u32 s1, $0x2  }
0xc7: {  	s3 =	sand.u32 $0x4000, s31;
	s1 =	sadd.s32 s1, s30  }
0xc8: {  	s0 =	sor.u32 s3, s0;
	s1 =	sshll.u32 s1, $0x11  }
0xc9: {  	s0 =	sor.u32 s1, s0  }
0xca: {  	s0 =	sadd.s32 $0x8F2B, s0  }
0xcb: {  	[sflag:s0] =	ssyncadd.remote.s32 $0x1  }
0xcc: {  	_ =	sfence.sel $0xFFFF  }
0xcd: {  	[dreg:$0x0] =	wrdreg $0xFFFFFFFF;
	(pc) =	sbr.abs _section_cstart, $3  }
0xce: {  	[dreg:$0x1] =	wrdreg $0xFFFFFFFF  }
0xcf: {  	_ =	task.clear_ibuf [dreg:s14], $0x2FFFF;
	_ =	strace $0x9FFFFFFF  }
0xd0: {  	(tm) =	ssettm $0x7FFFFFFF  }
0xd1: {  	_ =	shalt  }
tec
execute0_lowered:
.L_overlay_start_1:
0x0: {  	(tag) =	ssettag $0x1  }
0x1: {  	v0 =	vimm.f32 $0.0e+00  }
0x2: {  	v1 =	vlaneseq.u32;
	v4 =	vimm.s32 $0x31;
	vm13 =	vcmask $0x300  }
0x3: {  	vm0 =	vmmov $0x3;
	v6 =	vimm.s32 $0xFC8;
	vm15 =	vcmask $0x704  }
0x4: {  	vm14 =	vcmask $0xB08;
	vm12 =	vcmask $0xF0C;
	v6 =	vsel vm13, $0x448, v6  }
0x5: {  	vm11 =	vcmask $0x1310;
	vm10 =	vcmask $0x1714;
	v8 =	vsel vm15, $0x4C8, v6  }
0x6: {  	vm9 =	vcmask $0x1B18;
	vm8 =	vcmask $0x1F1C;
	v8 =	vsel vm14, $0x548, v8  }
0x7: {  	vm7 =	vcmask $0x2320;
	vm6 =	vcmask $0x2724;
	v9 =	vsel vm12, $0x5C8, v8  }
0x8: {  	vm5 =	vcmask $0x2B28;
	vm4 =	vcmask $0x2F2C;
	v10 =	vsel vm11, $0x648, v9  }
0x9: {  	vm3 =	vcmask $0x3330;
	vm2 =	vcmask $0x3734;
	v11 =	vsel vm10, $0x6C8, v10  }
0xa: {  	vm1 =	vcmask $0x3B38;
	v21 =	vimm.s32 $0xFCA;
	v12 =	vsel vm9, $0x748, v11  }
0xb: {  	v22 =	vimm.s32 $0xFCB;
	v58 =	vimm.s32 $0xFCD;
	v13 =	vsel vm8, $0x7C8, v12  }
0xc: {  	v24 =	vimm.s32 $0xFCE;
	v59 =	vimm.s32 $0xFD0;
	v14 =	vsel vm7, $0xC48, v13  }
0xd: {  	v27 =	vimm.s32 $0xFD1;
	v60 =	vimm.s32 $0xFD3;
	v15 =	vsel vm6, $0xCC8, v14  }
0xe: {  	v30 =	vimm.s32 $0xFD4;
	v61 =	vimm.s32 $0xFD6;
	v16 =	vsel vm5, $0xD48, v15  }
0xf: {  	v33 =	vimm.s32 $0xFD7;
	v62 =	vimm.s32 $0xFD9;
	v17 =	vsel vm4, $0xDC8, v16  }
0x10: {  	v36 =	vimm.s32 $0xFDA;
	v63 =	vimm.s32 $0xFDC;
	v18 =	vsel vm3, $0xE48, v17  }
0x11: {  	v39 =	vimm.s32 $0xFDD;
	v2 =	vor.u32 $0x10, v1;
	v20 =	vsel vm2, $0xEC8, v18  }
0x12: {  	v3 =	vor.u32 $0x20, v1;
	v4 =	vsel vm13, $0x30, v4;
	v20 =	vsel vm1, $0xF48, v20  }
0x13: {  	v5 =	vand.u32 $0x3, v1;
	v21 =	vsel vm13, $0x44A, v21;
	[tilespmem:$0x1FF80] =	vst v20;
	v20 =	vimm.s32 $0xFC9  }
0x14: {  	v22 =	vsel vm13, $0x44B, v22;
	v24 =	vsel vm13, $0x44E, v24;
	v20 =	vsel vm13, $0x449, v20  }
0x15: {  	v27 =	vsel vm13, $0x451, v27;
	v30 =	vsel vm13, $0x454, v30;
	v20 =	vsel vm15, $0x4C9, v20  }
0x16: {  	v33 =	vsel vm13, $0x457, v33;
	v21 =	vsel vm15, $0x4CA, v21;
	v20 =	vsel vm14, $0x549, v20  }
0x17: {  	v22 =	vsel vm15, $0x4CB, v22;
	v21 =	vsel vm14, $0x54A, v21;
	v20 =	vsel vm12, $0x5C9, v20  }
0x18: {  	v22 =	vsel vm14, $0x54B, v22;
	v21 =	vsel vm12, $0x5CA, v21;
	v20 =	vsel vm11, $0x649, v20  }
0x19: {  	v22 =	vsel vm12, $0x5CB, v22;
	v21 =	vsel vm11, $0x64A, v21;
	v20 =	vsel vm10, $0x6C9, v20  }
0x1a: {  	v22 =	vsel vm11, $0x64B, v22;
	v21 =	vsel vm10, $0x6CA, v21;
	v20 =	vsel vm9, $0x749, v20  }
0x1b: {  	v22 =	vsel vm10, $0x6CB, v22;
	v21 =	vsel vm9, $0x74A, v21;
	v20 =	vsel vm8, $0x7C9, v20  }
0x1c: {  	v22 =	vsel vm9, $0x74B, v22;
	v21 =	vsel vm8, $0x7CA, v21;
	v20 =	vsel vm7, $0xC49, v20  }
0x1d: {  	v22 =	vsel vm8, $0x7CB, v22;
	v21 =	vsel vm7, $0xC4A, v21;
	v20 =	vsel vm6, $0xCC9, v20  }
0x1e: {  	v22 =	vsel vm7, $0xC4B, v22;
	v21 =	vsel vm6, $0xCCA, v21;
	v20 =	vsel vm5, $0xD49, v20  }
0x1f: {  	v22 =	vsel vm6, $0xCCB, v22;
	v21 =	vsel vm5, $0xD4A, v21;
	v20 =	vsel vm4, $0xDC9, v20  }
0x20: {  	v22 =	vsel vm5, $0xD4B, v22;
	v21 =	vsel vm4, $0xDCA, v21;
	v20 =	vsel vm3, $0xE49, v20  }
0x21: {  	v22 =	vsel vm4, $0xDCB, v22;
	v21 =	vsel vm3, $0xE4A, v21;
	v20 =	vsel vm2, $0xEC9, v20  }
0x22: {  	v22 =	vsel vm3, $0xE4B, v22;
	v21 =	vsel vm2, $0xECA, v21;
	v20 =	vsel vm1, $0xF49, v20  }
0x23: {  	v36 =	vsel vm13, $0x45A, v36;
	v23 =	vsel vm2, $0xECB, v22;
	[tilespmem:$0x1FF90] =	vst v20;
	v20 =	vsel vm1, $0xF4A, v21  }
0x24: {  	v39 =	vsel vm13, $0x45D, v39;
	v7 =	vmul.u32 $0x2, v5;
	[tilespmem:$0x1FFA0] =	vst v20;
	v20 =	vsel vm1, $0xF4B, v23  }
0x25: {  	v5 =	vmul.u32 $0x2, v1;
	v24 =	vsel vm15, $0x4CE, v24;
	[tilespmem:$0x1FFB0] =	vst v20;
	v20 =	vimm.s32 $0xFCC  }
0x26: {  	v27 =	vsel vm15, $0x4D1, v27;
	v30 =	vsel vm15, $0x4D4, v30;
	v20 =	vsel vm13, $0x44C, v20  }
0x27: {  	v33 =	vsel vm15, $0x4D7, v33;
	v21 =	vsel vm13, $0x44D, v58;
	v20 =	vsel vm15, $0x4CC, v20  }
0x28: {  	v36 =	vsel vm15, $0x4DA, v36;
	v21 =	vsel vm15, $0x4CD, v21;
	v20 =	vsel vm14, $0x54C, v20  }
0x29: {  	v39 =	vsel vm15, $0x4DD, v39;
	v21 =	vsel vm14, $0x54D, v21;
	v20 =	vsel vm12, $0x5CC, v20  }
0x2a: {  	v24 =	vsel vm14, $0x54E, v24;
	v21 =	vsel vm12, $0x5CD, v21;
	v20 =	vsel vm11, $0x64C, v20  }
0x2b: {  	v24 =	vsel vm12, $0x5CE, v24;
	v21 =	vsel vm11, $0x64D, v21;
	v20 =	vsel vm10, $0x6CC, v20  }
0x2c: {  	v24 =	vsel vm11, $0x64E, v24;
	v21 =	vsel vm10, $0x6CD, v21;
	v20 =	vsel vm9, $0x74C, v20  }
0x2d: {  	v24 =	vsel vm10, $0x6CE, v24;
	v21 =	vsel vm9, $0x74D, v21;
	v20 =	vsel vm8, $0x7CC, v20  }
0x2e: {  	v24 =	vsel vm9, $0x74E, v24;
	v21 =	vsel vm8, $0x7CD, v21;
	v20 =	vsel vm7, $0xC4C, v20  }
0x2f: {  	v24 =	vsel vm8, $0x7CE, v24;
	v21 =	vsel vm7, $0xC4D, v21;
	v20 =	vsel vm6, $0xCCC, v20  }
0x30: {  	v24 =	vsel vm7, $0xC4E, v24;
	v21 =	vsel vm6, $0xCCD, v21;
	v20 =	vsel vm5, $0xD4C, v20  }
0x31: {  	v24 =	vsel vm6, $0xCCE, v24;
	v21 =	vsel vm5, $0xD4D, v21;
	v20 =	vsel vm4, $0xDCC, v20  }
0x32: {  	v24 =	vsel vm5, $0xD4E, v24;
	v21 =	vsel vm4, $0xDCD, v21;
	v20 =	vsel vm3, $0xE4C, v20  }
0x33: {  	v24 =	vsel vm4, $0xDCE, v24;
	v21 =	vsel vm3, $0xE4D, v21;
	v20 =	vsel vm2, $0xECC, v20  }
0x34: {  	v24 =	vsel vm3, $0xE4E, v24;
	v21 =	vsel vm2, $0xECD, v21;
	v20 =	vsel vm1, $0xF4C, v20  }
0x35: {  	v27 =	vsel vm14, $0x551, v27;
	v26 =	vsel vm2, $0xECE, v24;
	[tilespmem:$0x1FFC0] =	vst v20;
	v20 =	vsel vm1, $0xF4D, v21  }
0x36: {  	v30 =	vsel vm14, $0x554, v30;
	v33 =	vsel vm14, $0x557, v33;
	[tilespmem:$0x1FFD0] =	vst v20;
	v20 =	vsel vm1, $0xF4E, v26  }
0x37: {  	v36 =	vsel vm14, $0x55A, v36;
	v39 =	vsel vm14, $0x55D, v39;
	[tilespmem:$0x1FFE0] =	vst v20;
	v20 =	vimm.s32 $0xFCF  }
0x38: {  	v6 =	vor.u32 $0xFFFFFF98, v7;
	v7 =	vor.u32 $0x1, v5;
	v20 =	vsel vm13, $0x44F, v20  }
0x39: {  	v8 =	vor.u32 $0x20, v5;
	v19 =	vor.u32 $0x441, v5;
	v20 =	vsel vm15, $0x4CF, v20  }
0x3a: {  	v27 =	vsel vm12, $0x5D1, v27;
	v30 =	vsel vm12, $0x5D4, v30;
	v20 =	vsel vm14, $0x54F, v20  }
0x3b: {  	v33 =	vsel vm12, $0x5D7, v33;
	v36 =	vsel vm12, $0x5DA, v36;
	v20 =	vsel vm12, $0x5CF, v20  }
0x3c: {  	v39 =	vsel vm12, $0x5DD, v39;
	v9 =	vor.u32 $0x21, v5;
	v20 =	vsel vm11, $0x64F, v20  }
0x3d: {  	v27 =	vsel vm11, $0x651, v27;
	v21 =	vsel vm13, $0x450, v59;
	v20 =	vsel vm10, $0x6CF, v20  }
0x3e: {  	v30 =	vsel vm11, $0x654, v30;
	v21 =	vsel vm15, $0x4D0, v21;
	v20 =	vsel vm9, $0x74F, v20  }
0x3f: {  	v33 =	vsel vm11, $0x657, v33;
	v21 =	vsel vm14, $0x550, v21;
	v20 =	vsel vm8, $0x7CF, v20  }
0x40: {  	v36 =	vsel vm11, $0x65A, v36;
	v21 =	vsel vm12, $0x5D0, v21;
	v20 =	vsel vm7, $0xC4F, v20  }
0x41: {  	v39 =	vsel vm11, $0x65D, v39;
	v21 =	vsel vm11, $0x650, v21;
	v20 =	vsel vm6, $0xCCF, v20  }
0x42: {  	v10 =	vor.u32 $0x40, v5;
	v21 =	vsel vm10, $0x6D0, v21;
	v20 =	vsel vm5, $0xD4F, v20  }
0x43: {  	v27 =	vsel vm10, $0x6D1, v27;
	v21 =	vsel vm9, $0x750, v21;
	v20 =	vsel vm4, $0xDCF, v20  }
0x44: {  	v30 =	vsel vm10, $0x6D4, v30;
	v21 =	vsel vm8, $0x7D0, v21;
	v20 =	vsel vm3, $0xE4F, v20  }
0x45: {  	v33 =	vsel vm10, $0x6D7, v33;
	v21 =	vsel vm7, $0xC50, v21;
	v20 =	vsel vm2, $0xECF, v20  }
0x46: {  	v36 =	vsel vm10, $0x6DA, v36;
	v21 =	vsel vm6, $0xCD0, v21;
	v20 =	vsel vm1, $0xF4F, v20  }
0x47: {  	v39 =	vsel vm10, $0x6DD, v39;
	v21 =	vsel vm5, $0xD50, v21;
	[tilespmem:$0x1FFF0] =	vst v20;
	v20 =	vimm.s32 $0xFD2  }
0x48: {  	v11 =	vor.u32 $0x41, v5;
	v21 =	vsel vm4, $0xDD0, v21;
	v20 =	vsel vm13, $0x452, v20  }
0x49: {  	v27 =	vsel vm9, $0x751, v27;
	v21 =	vsel vm3, $0xE50, v21;
	v20 =	vsel vm15, $0x4D2, v20  }
0x4a: {  	v30 =	vsel vm9, $0x754, v30;
	v21 =	vsel vm2, $0xED0, v21;
	v20 =	vsel vm14, $0x552, v20  }
0x4b: {  	v28 =	vsel vm1, $0xF50, v21;
	v21 =	vsel vm13, $0x453, v60;
	v20 =	vsel vm12, $0x5D2, v20  }
0x4c: {  	v33 =	vsel vm9, $0x757, v33;
	v21 =	vsel vm15, $0x4D3, v21;
	v20 =	vsel vm11, $0x652, v20  }
0x4d: {  	v36 =	vsel vm9, $0x75A, v36;
	v21 =	vsel vm14, $0x553, v21;
	v20 =	vsel vm10, $0x6D2, v20  }
0x4e: {  	v39 =	vsel vm9, $0x75D, v39;
	v21 =	vsel vm12, $0x5D3, v21;
	v20 =	vsel vm9, $0x752, v20  }
0x4f: {  	v30 =	vsel vm8, $0x7D4, v30;
	v21 =	vsel vm11, $0x653, v21;
	v20 =	vsel vm8, $0x7D2, v20  }
0x50: {  	v30 =	vsel vm7, $0xC54, v30;
	v21 =	vsel vm10, $0x6D3, v21;
	v20 =	vsel vm7, $0xC52, v20  }
0x51: {  	v30 =	vsel vm6, $0xCD4, v30;
	v21 =	vsel vm9, $0x753, v21;
	v20 =	vsel vm6, $0xCD2, v20  }
0x52: {  	v30 =	vsel vm5, $0xD54, v30;
	v21 =	vsel vm8, $0x7D3, v21;
	v20 =	vsel vm5, $0xD52, v20  }
0x53: {  	v30 =	vsel vm4, $0xDD4, v30;
	v21 =	vsel vm7, $0xC53, v21;
	v20 =	vsel vm4, $0xDD2, v20  }
0x54: {  	v30 =	vsel vm3, $0xE54, v30;
	v21 =	vsel vm6, $0xCD3, v21;
	v20 =	vsel vm3, $0xE52, v20  }
0x55: {  	v32 =	vsel vm2, $0xED4, v30;
	v21 =	vsel vm5, $0xD53, v21;
	v20 =	vsel vm2, $0xED2, v20  }
0x56: {  	v21 =	vsel vm4, $0xDD3, v21;
	v30 =	vsel vm1, $0xF52, v20;
	v20 =	vimm.s32 $0xFD5  }
0x57: {  	v12 =	vor.u32 $0x60, v5;
	v21 =	vsel vm3, $0xE53, v21;
	v20 =	vsel vm13, $0x455, v20  }
0x58: {  	v27 =	vsel vm8, $0x7D1, v27;
	v21 =	vsel vm2, $0xED3, v21;
	v20 =	vsel vm15, $0x4D5, v20  }
0x59: {  	v31 =	vsel vm1, $0xF53, v21;
	v21 =	vsel vm13, $0x456, v61;
	v20 =	vsel vm14, $0x555, v20  }
0x5a: {  	v33 =	vsel vm8, $0x7D7, v33;
	v21 =	vsel vm15, $0x4D6, v21;
	v20 =	vsel vm12, $0x5D5, v20  }
0x5b: {  	v36 =	vsel vm8, $0x7DA, v36;
	v21 =	vsel vm14, $0x556, v21;
	v20 =	vsel vm11, $0x655, v20  }
0x5c: {  	v39 =	vsel vm8, $0x7DD, v39;
	v21 =	vsel vm12, $0x5D6, v21;
	v20 =	vsel vm10, $0x6D5, v20  }
0x5d: {  	v13 =	vor.u32 $0x61, v5;
	v21 =	vsel vm11, $0x656, v21;
	v20 =	vsel vm9, $0x755, v20  }
0x5e: {  	v27 =	vsel vm7, $0xC51, v27;
	v21 =	vsel vm10, $0x6D6, v21;
	v20 =	vsel vm8, $0x7D5, v20  }
0x5f: {  	v33 =	vsel vm7, $0xC57, v33;
	v21 =	vsel vm9, $0x756, v21;
	v20 =	vsel vm7, $0xC55, v20  }
0x60: {  	v33 =	vsel vm6, $0xCD7, v33;
	v21 =	vsel vm8, $0x7D6, v21;
	v20 =	vsel vm6, $0xCD5, v20  }
0x61: {  	v33 =	vsel vm5, $0xD57, v33;
	v21 =	vsel vm7, $0xC56, v21;
	v20 =	vsel vm5, $0xD55, v20  }
0x62: {  	v33 =	vsel vm4, $0xDD7, v33;
	v21 =	vsel vm6, $0xCD6, v21;
	v20 =	vsel vm4, $0xDD5, v20  }
0x63: {  	v33 =	vsel vm3, $0xE57, v33;
	v21 =	vsel vm5, $0xD56, v21;
	v20 =	vsel vm3, $0xE55, v20  }
0x64: {  	v35 =	vsel vm2, $0xED7, v33;
	v21 =	vsel vm4, $0xDD6, v21;
	v20 =	vsel vm2, $0xED5, v20  }
0x65: {  	v21 =	vsel vm3, $0xE56, v21;
	v33 =	vsel vm1, $0xF55, v20;
	v20 =	vimm.s32 $0xFD8  }
0x66: {  	v36 =	vsel vm7, $0xC5A, v36;
	v21 =	vsel vm2, $0xED6, v21;
	v20 =	vsel vm13, $0x458, v20  }
0x67: {  	v34 =	vsel vm1, $0xF56, v21;
	v21 =	vsel vm13, $0x459, v62;
	v20 =	vsel vm15, $0x4D8, v20  }
0x68: {  	v39 =	vsel vm7, $0xC5D, v39;
	v21 =	vsel vm15, $0x4D9, v21;
	v20 =	vsel vm14, $0x558, v20  }
0x69: {  	v14 =	vor.u32 $0x400, v5;
	v21 =	vsel vm14, $0x559, v21;
	v20 =	vsel vm12, $0x5D8, v20  }
0x6a: {  	v27 =	vsel vm6, $0xCD1, v27;
	v21 =	vsel vm12, $0x5D9, v21;
	v20 =	vsel vm11, $0x658, v20  }
0x6b: {  	s1 =	rddreg [dreg:$0x0];
	v36 =	vsel vm6, $0xCDA, v36;
	v21 =	vsel vm11, $0x659, v21;
	v20 =	vsel vm10, $0x6D8, v20  }
0x6c: {  	s0 =	rddreg [dreg:$0x1];
	v39 =	vsel vm6, $0xCDD, v39;
	v21 =	vsel vm10, $0x6D9, v21;
	v20 =	vsel vm9, $0x758, v20  }
0x6d: {  	s5 =	rddreg [dreg:$0x2];
	v15 =	vor.u32 $0x401, v5;
	v21 =	vsel vm9, $0x759, v21;
	v20 =	vsel vm8, $0x7D8, v20  }
0x6e: {  	s6 =	rddreg [dreg:$0x3];
	v27 =	vsel vm5, $0xD51, v27;
	v21 =	vsel vm8, $0x7D9, v21;
	v20 =	vsel vm7, $0xC58, v20  }
0x6f: {  	s8 =	rddreg [dreg:$0x4];
	v36 =	vsel vm5, $0xD5A, v36;
	v21 =	vsel vm7, $0xC59, v21;
	v20 =	vsel vm6, $0xCD8, v20  }
0x70: {  	s11 =	rddreg [dreg:$0x5];
	v39 =	vsel vm5, $0xD5D, v39;
	v21 =	vsel vm6, $0xCD9, v21;
	v20 =	vsel vm5, $0xD58, v20  }
0x71: {  	s12 =	rddreg [dreg:$0x6];
	v36 =	vsel vm4, $0xDDA, v36;
	v21 =	vsel vm5, $0xD59, v21;
	v20 =	vsel vm4, $0xDD8, v20  }
0x72: {  	s13 =	rddreg [dreg:$0x7];
	s2 =	simm.s32 $0x0;
	v36 =	vsel vm3, $0xE5A, v36;
	v21 =	vsel vm4, $0xDD9, v21;
	v20 =	vsel vm3, $0xE58, v20  }
0x73: {  	s7 =	srdreg.scid;
	[smem:$0x7FF] =	sst s2;
	s3 =	sadd.s32 $0x1A200, s1;
	v38 =	vsel vm2, $0xEDA, v36;
	v21 =	vsel vm3, $0xE59, v21;
	v20 =	vsel vm2, $0xED8, v20  }
0x74: {  	s10 =	stileid.u32;
	s4 =	sadd.s32 $0x1200, s1;
	s9 =	sadd.s32 $0x1BF400, s1;
	v21 =	vsel vm2, $0xED9, v21;
	v36 =	vsel vm1, $0xF58, v20;
	v20 =	vimm.s32 $0xFDB  }
0x75: {  	s18 =	sand.u32 $0x1, s7;
	s7 =	sadd.s32 $0x36200, s1;
	s10 =	sshll.u32 s10, $0xA;
	v37 =	vsel vm1, $0xF59, v21;
	v21 =	vsel vm13, $0x45C, v63;
	v20 =	vsel vm13, $0x45B, v20  }
0x76: {  	s15 =	sadd.s32 $0x1BCC00, s1;
	s14 =	sshll.u32 s18, $0x9;
	s19 =	ssub.s32 $0x2, s18;
	v16 =	vor.u32 $0x420, v5;
	v21 =	vsel vm15, $0x4DC, v21;
	v20 =	vsel vm15, $0x4DB, v20  }
0x77: {  	s20 =	sshrl.u32 s19, $0x1;
	v27 =	vsel vm4, $0xDD1, v27;
	_ =	strace $0x80000047;
	[dreg:$0xa] =	wrdreg s9;
	v21 =	vsel vm14, $0x55C, v21;
	v20 =	vsel vm14, $0x55B, v20  }
0x78: {  	v39 =	vsel vm4, $0xDDD, v39;
	s9 =	sor.u32 s14, s10;
	s10 =	sadd.s32 $0x1BF600, s1;
	s1 =	ssub.s32 s19, s20;
	v21 =	vsel vm12, $0x5DC, v21;
	v20 =	vsel vm12, $0x5DB, v20  }
0x79: {  	v17 =	vor.u32 $0x421, v5;
	[dreg:$0xb] =	wrdreg s15;
	s17 =	sshrl.u32 s9, $0x3;
	s31 =	smax.u32 s1, $0x1;
	v21 =	vsel vm11, $0x65C, v21;
	v20 =	vsel vm11, $0x65B, v20  }
0x7a: {  	v27 =	vsel vm3, $0xE51, v27;
	s0 =	sadd.s32 s0, s17;
	[dreg:$0x13] =	wrdreg s31;
	v21 =	vsel vm10, $0x6DC, v21;
	v20 =	vsel vm10, $0x6DB, v20  }
0x7b: {  	s28 =	simm.s32 $0x88A0;
	v39 =	vsel vm3, $0xE5D, v39;
	s21 =	sadd.s32 s5, s17;
	[dreg:$0xc] =	wrdreg s0;
	v21 =	vsel vm9, $0x75C, v21;
	v20 =	vsel vm9, $0x75B, v20  }
0x7c: {  	s29 =	simm.s32 $0x8920;
	v18 =	vor.u32 $0x440, v5;
	s22 =	sadd.s32 s6, s17;
	[dreg:$0xd] =	wrdreg s21;
	v21 =	vsel vm8, $0x7DC, v21;
	v20 =	vsel vm8, $0x7DB, v20  }
0x7d: {  	s30 =	simm.s32 $0x8938;
	v29 =	vsel vm2, $0xED1, v27;
	s23 =	sadd.s32 s8, s17;
	[dreg:$0xe] =	wrdreg s22;
	v21 =	vsel vm7, $0xC5C, v21;
	v20 =	vsel vm7, $0xC5B, v20  }
0x7e: {  	v41 =	vsel vm2, $0xEDD, v39;
	s20 =	simm.s32 $0x5;
	s24 =	sadd.s32 s11, s17;
	[dreg:$0xf] =	wrdreg s23;
	v21 =	vsel vm6, $0xCDC, v21;
	v20 =	vsel vm6, $0xCDB, v20  }
0x7f: {  	v29 =	vsel vm1, $0xF51, v29;
	s19 =	simm.s32 $0x38;
	s25 =	sadd.s32 s12, s17;
	[dreg:$0x10] =	wrdreg s24;
	v21 =	vsel vm5, $0xD5C, v21;
	v20 =	vsel vm5, $0xD5B, v20  }
0x80: {  	v32 =	vsel vm1, $0xF54, v32;
	s1 =	simm.s32 $0x6A0;
	s26 =	sadd.s32 s13, s17;
	[dreg:$0x11] =	wrdreg s25;
	v21 =	vsel vm4, $0xDDC, v21;
	v20 =	vsel vm4, $0xDDB, v20  }
0x81: {  	v35 =	vsel vm1, $0xF57, v35;
	s5 =	simm.s32 $0x32;
	[dreg:$0x12] =	wrdreg s26;
	s0 =	simm.s32 $0x380;
	v21 =	vsel vm3, $0xE5C, v21;
	v20 =	vsel vm3, $0xE5B, v20  }
0x82: {  	v38 =	vsel vm1, $0xF5A, v38;
	s21 =	simm.s32 $0x1FA0;
	s22 =	simm.s32 $0x70;
	s23 =	simm.s32 $0x38A0;
	v21 =	vsel vm2, $0xEDC, v21;
	v20 =	vsel vm2, $0xEDB, v20  }
0x83: {  	v41 =	vsel vm1, $0xF5D, v41;
	s24 =	simm.s32 $0x6AA0;
	s25 =	simm.s32 $0x0;
	s26 =	simm.s32 $0x0;
	v40 =	vsel vm1, $0xF5C, v21;
	v39 =	vsel vm1, $0xF5B, v20  }
.LBB2_1:
0x84: {  	s6 =	rddreg [dreg:$0xc];
	s8 =	simm.s32 $0x7AA0  }
0x85: {  	[tilespmem:s8], [sflag:$0x5] =	stream.linear.gather [hbm4b:s6+s2], $0x200, $0x38;
	[tilespmem:$0x1C318] =	vst v63  }
0x86: {  	_ =	swait.ge [sflag:s20], $0x200  }
0x87: {  	[sflag:s20] =	ssyncset.done $0x0  }
0x88: {  	s15 =	simm.s32 $0x7CA0;
	s14 =	rddreg [dreg:$0xd];
	[sflag:s20] =	ssyncadd.s32 $0xFFFFFE00  }
0x89: {  	[tilespmem:s15], [sflag:$0x5] =	stream.linear.gather [hbm4b:s14+s2], $0x200, $0x38;
	[tilespmem:$0x1C318] =	vst v63  }
0x8a: {  	_ =	swait.ge [sflag:s20], $0x200  }
0x8b: {  	[sflag:s20] =	ssyncset.done $0x0  }
0x8c: {  	s17 =	simm.s32 $0x7EA0;
	s16 =	rddreg [dreg:$0xe];
	[sflag:s20] =	ssyncadd.s32 $0xFFFFFE00  }
0x8d: {  	[tilespmem:s17], [sflag:$0x5] =	stream.linear.gather [hbm4b:s16+s2], $0x200, $0x38;
	[tilespmem:$0x1C318] =	vst v63  }
0x8e: {  	_ =	swait.ge [sflag:s20], $0x200  }
0x8f: {  	[sflag:s20] =	ssyncset.done $0x0  }
0x90: {  	s31 =	simm.s32 $0x80A0;
	s18 =	rddreg [dreg:$0xf];
	[sflag:s20] =	ssyncadd.s32 $0xFFFFFE00  }
0x91: {  	[tilespmem:s31], [sflag:$0x5] =	stream.linear.gather [hbm4b:s18+s2], $0x200, $0x38;
	[tilespmem:$0x1C318] =	vst v63  }
0x92: {  	_ =	swait.ge [sflag:s20], $0x200  }
0x93: {  	[sflag:s20] =	ssyncset.done $0x0  }
0x94: {  	s11 =	simm.s32 $0x82A0;
	s8 =	rddreg [dreg:$0x10];
	[sflag:s20] =	ssyncadd.s32 $0xFFFFFE00  }
0x95: {  	[tilespmem:s11], [sflag:$0x5] =	stream.linear.gather [hbm4b:s8+s2], $0x200, $0x38;
	[tilespmem:$0x1C318] =	vst v63  }
0x96: {  	_ =	swait.ge [sflag:s20], $0x200  }
0x97: {  	[sflag:s20] =	ssyncset.done $0x0  }
0x98: {  	s13 =	simm.s32 $0x84A0;
	s12 =	rddreg [dreg:$0x11];
	[sflag:s20] =	ssyncadd.s32 $0xFFFFFE00  }
0x99: {  	[tilespmem:s13], [sflag:$0x5] =	stream.linear.gather [hbm4b:s12+s2], $0x200, $0x38;
	[tilespmem:$0x1C318] =	vst v63  }
0x9a: {  	_ =	swait.ge [sflag:s20], $0x200  }
0x9b: {  	[sflag:s20] =	ssyncset.done $0x0  }
0x9c: {  	s15 =	simm.s32 $0x86A0;
	s14 =	rddreg [dreg:$0x12];
	[sflag:s20] =	ssyncadd.s32 $0xFFFFFE00  }
0x9d: {  	[tilespmem:s15], [sflag:$0x5] =	stream.linear.gather [hbm4b:s14+s2], $0x200, $0x38;
	[tilespmem:$0x1C318] =	vst v63  }
0x9e: {  	_ =	swait.ge [sflag:s20], $0x200  }
0x9f: {  	[sflag:s20] =	ssyncset.done $0x0  }
0xa0: {  	[sflag:s20] =	ssyncadd.s32 $0xFFFFFE00  }
0xa1: {  	s16 =	rddreg [dreg:$0x8]  }
0xa2: {  	[tilespmem:s28], [sflag:$0x5] =	stream.linear.gather [hbm4b:s16+s2], $0x80, $0x38;
	[tilespmem:$0x1C318] =	vst v63  }
0xa3: {  	_ =	swait.ge [sflag:s20], $0x80  }
0xa4: {  	[sflag:s20] =	ssyncset.done $0x0  }
0xa5: {  	s17 =	rddreg [dreg:$0xa];
	[sflag:s20] =	ssyncadd.s32 $0xFFFFFF80  }
0xa6: {  	[tilespmem:s29], [sflag:$0x5] =	stream.linear.gather [hbm4b:s17+s2], $0x18, $0x38;
	[tilespmem:$0x1C318] =	vst v63  }
0xa7: {  	_ =	swait.ge [sflag:s20], $0x18  }
0xa8: {  	[sflag:s20] =	ssyncset.done $0x0  }
0xa9: {  	s18 =	rddreg [dreg:$0xb];
	[sflag:s20] =	ssyncadd.s32 $0xFFFFFFE8  }
0xaa: {  	[tilespmem:s30], [sflag:$0x5] =	stream.linear.gather [hbm4b:s18+s2], $0x13880, $0x38;
	[tilespmem:$0x1C318] =	vst v63  }
0xab: {  	_ =	swait.ge [sflag:s20], $0x13880  }
0xac: {  	[sflag:s20] =	ssyncset.done $0x0  }
0xad: {  	s31 =	simm.s32 $0x1C1B8;
	[sflag:s20] =	ssyncadd.s32 $0xFFFEC780  }
0xae: {  	[tilespmem:s31], [sflag:$0x5] =	stream.linear.gather [hbm4b:s7+s2], $0x80, $0x38;
	[tilespmem:$0x1C318] =	vst v63  }
0xaf: {  	_ =	swait.ge [sflag:s20], $0x80  }
0xb0: {  	[sflag:s20] =	ssyncset.done $0x0  }
0xb1: {  	s6 =	simm.s32 $0x40;
	s8 =	simm.s32 $0x0;
	[sflag:s20] =	ssyncadd.s32 $0xFFFFFF80  }
.LBB2_2:
0xb2: {  	p0 =	sne.s32 s6, $0x3FC0;
	[tilespmem:s8+$0x6AA0] =	vst v0;
	s8 =	smov.u32 s6;
	s6 =	sadd.s32 $0x40, s6  }
.Ltmp0:
0xb3: {  	(pc) =	sbr.rel @p0 .LBB2_2-.Ltmp0, $2  }
0xb4: {  	_ =	sdelay $0x2  }
0xb5: {  	s8 =	sshra.s32 s8, $0x2  }
0xb6: {  	[tilespmem:s8+$0x6AA0] =	vst v0  }
0xb7: {  	v20 =	vld [tilespmem:$0x1C1B8];
	_ =	sdelay $0x1  }
0xb8: {  	v21 =	vld [tilespmem:$0x1C1C8];
	_ =	sdelay $0x1  }
0xb9: {  	v42 =	vld [tilespmem:$0x1C1D8]  }
0xba: {  	v43 =	vshll.u32 v20, $0x10  }
0xbb: {  	v60 =	vld [tilespmem:$0x1C1E8];
	v20 =	vand.u32 $0xFFFF0000, v20;
	[tilespmem:$0x1C238] =	vst v43  }
0xbc: {  	[tilespmem:$0x1C248] =	vst v20;
	v20 =	vshll.u32 v21, $0x10  }
0xbd: {  	v61 =	vld [tilespmem:$0x1C1F8];
	[tilespmem:$0x1C258] =	vst v20;
	v20 =	vand.u32 $0xFFFF0000, v21  }
0xbe: {  	[tilespmem:$0x1C268] =	vst v20;
	v20 =	vshll.u32 v42, $0x10  }
0xbf: {  	v62 =	vld [tilespmem:$0x1C208];
	[tilespmem:$0x1C278] =	vst v20;
	v20 =	vand.u32 $0xFFFF0000, v42  }
0xc0: {  	[tilespmem:$0x1C288] =	vst v20;
	v20 =	vshll.u32 v60, $0x10  }
0xc1: {  	v63 =	vld [tilespmem:$0x1C218];
	[tilespmem:$0x1C298] =	vst v20;
	v20 =	vand.u32 $0xFFFF0000, v60  }
0xc2: {  	[tilespmem:$0x1C2A8] =	vst v20;
	v20 =	vshll.u32 v61, $0x10  }
0xc3: {  	[tilespmem:$0x1C2B8] =	vst v20;
	v20 =	vand.u32 $0xFFFF0000, v61  }
0xc4: {  	[tilespmem:$0x1C2C8] =	vst v20;
	v20 =	vshll.u32 v62, $0x10  }
0xc5: {  	[tilespmem:$0x1C2D8] =	vst v20;
	v20 =	vand.u32 $0xFFFF0000, v62  }
0xc6: {  	[tilespmem:$0x1C2E8] =	vst v20;
	v20 =	vshll.u32 v63, $0x10  }
0xc7: {  	[tilespmem:$0x1C2F8] =	vst v20;
	v20 =	vand.u32 $0xFFFF0000, v63  }
0xc8: {  	s31 =	simm.s32 $0x0;
	[tilespmem:$0x1C308] =	vst v20  }
.LBB2_4:
0xc9: {  	s6 =	sshll.u32 s31, $0x4  }
0xca: {  	s8 =	sor.u32 s9, s6  }
0xcb: {  	s11 =	smul.u32 $0x7, s8;
	_ =	sdelay $0x1  }
0xcc: {  	s18 =	smul.u32 $0x32, s8;
	s11 =	sadd.s32 s3, s11  }
0xcd: {  	[tilespmem:s26], [sflag:$0x5] =	stream.linear.gather [hbm4b:s11+s26], $0x380, $0x38;
	[tilespmem:$0x1C318] =	vst v63  }
0xce: {  	_ =	swait.ge [sflag:s20], $0x380  }
0xcf: {  	s11 =	sshrl.u32 s18, $0x3;
	[sflag:s20] =	ssyncset.done $0x0  }
0xd0: {  	s11 =	sadd.s32 s4, s11;
	[sflag:s20] =	ssyncadd.s32 $0xFFFFFC80  }
0xd1: {  	[tilespmem:s0], [sflag:$0x5] =	stream.linear.gather [hbm4b:s11+s26], $0x320, $0x38;
	[tilespmem:$0x1C318] =	vst v63  }
0xd2: {  	_ =	swait.ge [sflag:s20], $0x320  }
0xd3: {  	[sflag:s20] =	ssyncset.done $0x0  }
0xd4: {  	[sflag:s20] =	ssyncadd.s32 $0xFFFFFCE0  }
0xd5: {  	v20 =	vld [tilespmem:s6+$0x7AA0];
	_ =	sdelay $0x4  }
0xd6: {  	v20 =	vcvt.s32.f32 v20;
	_ =	sdelay $0x1  }
0xd7: {  	v20 =	vmax.f32 v20, $1.000000000e+00  }
0xd8: {  	(erf) = vrcp.f32 v20;
	_ =	sdelay $0x4  }
0xd9: {  	[tilespmem:s1], [sflag:$0x1] =	stream.indirect.gather [hbm4b:s7+s5], $0x80, s26, s5, $0xb8;
	[tilespmem:$0x1C318] =	vst v63  }
0xda: {  	_ = 	snop  }
0xdb: {  	[tilespmem:s21], [sflag:$0x2] =	stream.indirect.gather [hbm4b:s7+s5], $0x80, s19, s5, $0xb8;
	[tilespmem:$0x1C318] =	vst v63  }
0xdc: {  	s12 =	simm.s32 $0x0;
	s11 =	simm.s32 $0x0  }
0xdd: {  	[tilespmem:s23], [sflag:$0x3] =	stream.indirect.gather [hbm4b:s7+s5], $0x80, s22, s5, $0xb8;
	v42 =	vpop (erf);
	[tilespmem:$0x1C318] =	vst v63  }
.LBB2_5:
0xde: {  	p0 =	sgt.u32 s12, $0xC  }
0xdf: {  	s13 =	sand.u32 $0x3, s11;
	s14 =	sadd.s32 @!p0 $0x3, s12  }
0xe0: {  	s13 =	smul.u32 $0x6400, s13;
	s15 =	sand.u32 @!p0 $0x3, s14  }
0xe1: {  	s17 =	sand.u32 $0x3, s12;
	s16 =	smul.u32 @!p0 $0x6400, s15  }
0xe2: {  	s18 =	simm.s32 @!p0 $0x32;
	s14 =	smul.u32 @!p0 $0xE0, s14;
	s13 =	sshrl.u32 s13, $0x2  }
0xe3: {  	s17 =	sadd.s32 $0x1, s17;
	s13 =	sadd.s32 $0x6D0, s13;
	s16 =	sshrl.u32 @!p0 s16, $0x2  }
0xe4: {  	s15 =	sadd.s32 @!p0 $0x1, s15;
	s14 =	sshra.s32 @!p0 s14, $0x2;
	v20 =	vmov s13;
	s16 =	sadd.s32 @!p0 $0x6A0, s16  }
0xe5: {  	[tilespmem:s16], [sflag:s15] =	stream.indirect.gather @!p0 [hbm4b:s7+s18], $0x80, s14, s18, $0xb8;
	[tilespmem:$0x1C318] =	vst v63  }
0xe6: {  	_ =	swait.ge [sflag:s17], $0x1900  }
0xe7: {  	[sflag:s17] =	ssyncset.done $0x0  }
0xe8: {  	s18 =	simm.s32 $0x0;
	[sflag:s17] =	ssyncadd.s32 $0xFFFFE700  }
0xe9: {  	v21 =	vld.idx.msk [tilespmem:v20+s18+$0x30 ss:$0x1], $0xffff;
	_ =	sdelay $0x2  }
0xea: {  	v44 =	vld.idx.msk [tilespmem:v20+s18+$0x0 ss:$0x1], $0xffff  }
0xeb: {  	v43 =	vimm.f32 $0.0e+00;
	v51 =	vimm.f32 $0.0e+00;
	v62 =	vimm.f32 $0.0e+00;
	v45 =	vld.idx.msk [tilespmem:v20+s18+$0x20 ss:$0x1], $0xffff  }
0xec: {  	v61 =	vimm.f32 $0.0e+00;
	v46 =	vshll.u32 v21, $0x10;
	v48 =	vand.u32 $0xFFFF0000, v21;
	v21 =	vld.idx.msk [tilespmem:v20+s18+$0xFFFFFFD0 ss:$0x1], $0xffff  }
0xed: {  	v52 =	vimm.f32 $0.0e+00;
	v54 =	vimm.f32 $0.0e+00;
	v56 =	vimm.f32 $0.0e+00;
	v57 =	vld.idx.msk [tilespmem:v20+s18+$0xFFFFFFF0 ss:$0x1], $0xffff  }
0xee: {  	v49 =	vimm.f32 $0.0e+00;
	v59 =	vimm.f32 $0.0e+00;
	v60 =	vimm.f32 $0.0e+00;
	v53 =	vld.idx.msk [tilespmem:v20+s18+$0x10 ss:$0x1], $0xffff  }
0xef: {  	v50 =	vimm.f32 $0.0e+00;
	v47 =	vimm.f32 $0.0e+00;
	v58 =	vshll.u32 v44, $0x10  }
0xf0: {  	s13 =	simm.s32 $0x200;
	v63 =	vld.idx.msk [tilespmem:v20+s18+$0xFFFFFFE0 ss:$0x1], $0xffff;
	v55 =	vand.u32 $0xFFFF0000, v44;
	v44 =	vadd.f32 v46, v43;
	v46 =	vimm.f32 $0.0e+00  }
.LBB2_6:
0xf1: {  	s14 =	sshra.s32 s13, $0x2;
	p0 =	sne.s32 s13, $0x6200;
	s13 =	sadd.s32 $0x200, s13;
	v22 =	vshll.u32 v21, $0x10;
	v21 =	vand.u32 $0xFFFF0000, v21;
	v43 =	vadd.f32 v48, v43  }
0xf2: {  	v48 =	vand.u32 $0xFFFF0000, v57;
	v51 =	vadd.f32 v58, v51;
	v58 =	vshll.u32 v45, $0x10;
	v23 =	vld.idx.msk [tilespmem:v20+s14+$0x0 ss:$0x1], $0xffff  }
0xf3: {  	v62 =	vadd.f32 v22, v62;
	v22 =	vshll.u32 v57, $0x10;
	v25 =	vand.u32 $0xFFFF0000, v53;
	v24 =	vld.idx.msk [tilespmem:v20+s14+$0x30 ss:$0x1], $0xffff  }
0xf4: {  	v52 =	vadd.f32 v55, v52;
	v61 =	vadd.f32 v21, v61;
	v55 =	vshll.u32 v53, $0x10;
	v26 =	vld.idx.msk [tilespmem:v20+s14+$0x20 ss:$0x1], $0xffff  }
0xf5: {  	v54 =	vadd.f32 v48, v54;
	v46 =	vadd.f32 v58, v46;
	v27 =	vshll.u32 v63, $0x10;
	v21 =	vld.idx.msk [tilespmem:v20+s14+$0xFFFFFFD0 ss:$0x1], $0xffff  }
.Ltmp1:
0xf6: {  	v56 =	vadd.f32 v22, v56;
	v49 =	vadd.f32 v25, v49;
	v48 =	vand.u32 $0xFFFF0000, v63;
	v57 =	vld.idx.msk [tilespmem:v20+s14+$0xFFFFFFF0 ss:$0x1], $0xffff;
	(pc) =	sbr.rel @p0 .LBB2_6-.Ltmp1, $4  }
0xf7: {  	v22 =	vand.u32 $0xFFFF0000, v45;
	v59 =	vadd.f32 v27, v59;
	v60 =	vadd.f32 v48, v60;
	v53 =	vld.idx.msk [tilespmem:v20+s14+$0x10 ss:$0x1], $0xffff  }
0xf8: {  	v50 =	vadd.f32 v55, v50;
	v47 =	vadd.f32 v22, v47  }
0xf9: {  	v22 =	vshll.u32 v24, $0x10;
	v48 =	vand.u32 $0xFFFF0000, v24;
	v63 =	vld.idx.msk [tilespmem:v20+s14+$0xFFFFFFE0 ss:$0x1], $0xffff  }
0xfa: {  	v58 =	vshll.u32 v23, $0x10;
	v55 =	vand.u32 $0xFFFF0000, v23;
	v44 =	vadd.f32 v22, v44;
	v45 =	vmovc v26  }
0xfb: {  	v20 =	vmov s12  }
0xfc: {  	v22 =	vmul.u32 $0x32, v20;
	_ =	sdelay $0x1  }
0xfd: {  	v23 =	vadd.s32 v1, v22  }
0xfe: {  	v24 =	vadd.s32 v2, v22  }
0xff: {  	v25 =	vadd.s32 v3, v22  }
0x100: {  	v22 =	vadd.s32 v4, v22;
	_ =	sdelay $0x1  }
0x101: {  	v23 =	vld.idx.msk [tilespmem:v23+s0+$0x0], $0xffff  }
0x102: {  	v24 =	vld.idx.msk [tilespmem:v24+s0+$0x0], $0xffff  }
0x103: {  	v25 =	vld.idx.msk [tilespmem:v25+s0+$0x0], $0xffff  }
0x104: {  	v22 =	vld.idx.msk [tilespmem:v22+s0+$0x0], $0xffff;
	_ =	sdelay $0x2  }
0x105: {  	vm1 =	veq.s32 v23, $0x0  }
0x106: {  	v23 =	vmpcnt.ones.xlane vm1;
	vm1 =	veq.s32 v24, $0x0  }
0x107: {  	vm2 =	veq.s32 v22, $0x0;
	v24 =	vmpcnt.ones.xlane vm1;
	vm1 =	veq.s32 v25, $0x0  }
0x108: {  	v22 =	vmpcnt.ones.xlane vm1;
	vm1 =	vmand vm2, vm0  }
0x109: {  	v25 =	vld [tilespmem:$0x1C238];
	v23 =	vadd.s32 v23, v24;
	v24 =	vmpcnt.ones.xlane vm1  }
0x10a: {  	s13 =	sshll.u32 s12, $0x8;
	s14 =	sshll.u32 s12, $0x7;
	v22 =	vadd.s32 v22, v23;
	v23 =	vld [tilespmem:$0x1C248]  }
0x10b: {  	s13 =	sand.u32 $0x800, s13;
	s14 =	sand.u32 $0x380, s14;
	v22 =	vadd.s32 v24, v22  }
0x10c: {  	s13 =	sor.u32 s14, s13;
	v22 =	vcvt.s32.f32 v22  }
0x10d: {  	v26 =	vor.u32 s13, v5;
	v24 =	vshll.u32 v21, $0x10  }
0x10e: {  	v21 =	vand.u32 $0xFFFF0000, v21;
	v24 =	vadd.f32 v24, v62;
	v25 =	vmul.f32 v22, v25  }
0x10f: {  	v26 =	vand.u32 v6, v26;
	v21 =	vadd.f32 v21, v61;
	v23 =	vmul.f32 v22, v23  }
0x110: {  	v20 =	vperm.xlane v42, v20;
	v62 =	vor.u32 s13, v7;
	v24 =	vsub.f32 v24, v25  }
0x111: {  	v21 =	vsub.f32 v21, v23  }
0x112: {  	v61 =	vmul.f32 v24, v20  }
0x113: {  	v21 =	vmul.f32 v21, v20  }
0x114: {  	[tilespmem:v26+s24+$0x0] =	vst.idx.msk $0xffff, v61  }
0x115: {  	[tilespmem:v62+s24+$0x0] =	vst.idx.msk $0xffff, v21  }
0x116: {  	v21 =	vld [tilespmem:$0x1C258]  }
0x117: {  	v23 =	vld [tilespmem:$0x1C268];
	_ =	sdelay $0x2  }
0x118: {  	v62 =	vshll.u32 v63, $0x10  }
0x119: {  	v24 =	vadd.f32 v62, v59;
	v59 =	vand.u32 $0xFFFF0000, v63;
	v21 =	vmul.f32 v22, v21  }
0x11a: {  	v61 =	vor.u32 s13, v8;
	v25 =	vadd.f32 v59, v60;
	v23 =	vmul.f32 v22, v23  }
0x11b: {  	v62 =	vor.u32 s13, v9;
	v21 =	vsub.f32 v24, v21  }
0x11c: {  	v23 =	vsub.f32 v25, v23  }
0x11d: {  	v21 =	vmul.f32 v21, v20  }
0x11e: {  	v23 =	vmul.f32 v23, v20  }
0x11f: {  	[tilespmem:v61+s24+$0x0] =	vst.idx.msk $0xffff, v21  }
0x120: {  	[tilespmem:v62+s24+$0x0] =	vst.idx.msk $0xffff, v23  }
0x121: {  	v21 =	vld [tilespmem:$0x1C278]  }
0x122: {  	v23 =	vld [tilespmem:$0x1C288];
	_ =	sdelay $0x2  }
0x123: {  	v63 =	vshll.u32 v57, $0x10  }
0x124: {  	v57 =	vand.u32 $0xFFFF0000, v57;
	v24 =	vadd.f32 v63, v56;
	v21 =	vmul.f32 v22, v21  }
0x125: {  	v59 =	vor.u32 s13, v10;
	v25 =	vadd.f32 v57, v54;
	v23 =	vmul.f32 v22, v23  }
0x126: {  	v60 =	vor.u32 s13, v11;
	v21 =	vsub.f32 v24, v21  }
0x127: {  	v23 =	vsub.f32 v25, v23  }
0x128: {  	v21 =	vmul.f32 v21, v20  }
0x129: {  	v23 =	vmul.f32 v23, v20  }
0x12a: {  	[tilespmem:v59+s24+$0x0] =	vst.idx.msk $0xffff, v21  }
0x12b: {  	[tilespmem:v60+s24+$0x0] =	vst.idx.msk $0xffff, v23  }
0x12c: {  	v21 =	vld [tilespmem:$0x1C298]  }
0x12d: {  	v23 =	vld [tilespmem:$0x1C2A8];
	_ =	sdelay $0x3  }
0x12e: {  	v61 =	vadd.f32 v58, v51;
	v21 =	vmul.f32 v22, v21  }
0x12f: {  	v63 =	vor.u32 s13, v12;
	v62 =	vadd.f32 v55, v52;
	v23 =	vmul.f32 v22, v23  }
0x130: {  	v51 =	vor.u32 s13, v13;
	v21 =	vsub.f32 v61, v21  }
0x131: {  	v23 =	vsub.f32 v62, v23  }
0x132: {  	v21 =	vmul.f32 v21, v20  }
0x133: {  	v23 =	vmul.f32 v23, v20  }
0x134: {  	[tilespmem:v63+s24+$0x0] =	vst.idx.msk $0xffff, v21  }
0x135: {  	[tilespmem:v51+s24+$0x0] =	vst.idx.msk $0xffff, v23  }
0x136: {  	v21 =	vld [tilespmem:$0x1C2B8]  }
0x137: {  	v23 =	vld [tilespmem:$0x1C2C8];
	_ =	sdelay $0x2  }
0x138: {  	v52 =	vshll.u32 v53, $0x10  }
0x139: {  	v54 =	vand.u32 $0xFFFF0000, v53;
	v24 =	vadd.f32 v52, v50;
	v21 =	vmul.f32 v22, v21  }
0x13a: {  	v55 =	vor.u32 s13, v14;
	v25 =	vadd.f32 v54, v49;
	v23 =	vmul.f32 v22, v23  }
0x13b: {  	v56 =	vor.u32 s13, v15;
	v21 =	vsub.f32 v24, v21  }
0x13c: {  	v23 =	vsub.f32 v25, v23  }
0x13d: {  	v21 =	vmul.f32 v21, v20  }
0x13e: {  	v23 =	vmul.f32 v23, v20  }
0x13f: {  	[tilespmem:v55+s24+$0x0] =	vst.idx.msk $0xffff, v21  }
0x140: {  	[tilespmem:v56+s24+$0x0] =	vst.idx.msk $0xffff, v23  }
0x141: {  	v21 =	vld [tilespmem:$0x1C2D8]  }
0x142: {  	v23 =	vld [tilespmem:$0x1C2E8];
	_ =	sdelay $0x2  }
0x143: {  	v57 =	vshll.u32 v45, $0x10  }
0x144: {  	v58 =	vand.u32 $0xFFFF0000, v45;
	v24 =	vadd.f32 v57, v46;
	v21 =	vmul.f32 v22, v21  }
0x145: {  	v59 =	vor.u32 s13, v16;
	v25 =	vadd.f32 v58, v47;
	v23 =	vmul.f32 v22, v23  }
0x146: {  	v60 =	vor.u32 s13, v17;
	v21 =	vsub.f32 v24, v21  }
0x147: {  	v23 =	vsub.f32 v25, v23  }
0x148: {  	v21 =	vmul.f32 v21, v20  }
0x149: {  	v23 =	vmul.f32 v23, v20  }
0x14a: {  	[tilespmem:v59+s24+$0x0] =	vst.idx.msk $0xffff, v21  }
0x14b: {  	[tilespmem:v60+s24+$0x0] =	vst.idx.msk $0xffff, v23  }
0x14c: {  	v21 =	vld [tilespmem:$0x1C2F8]  }
0x14d: {  	v23 =	vld [tilespmem:$0x1C308];
	_ =	sdelay $0x3  }
0x14e: {  	v21 =	vmul.f32 v22, v21  }
0x14f: {  	s12 =	sadd.s32 $0x1, s12;
	v61 =	vadd.f32 v48, v43;
	v62 =	vor.u32 s13, v18;
	v22 =	vmul.f32 v22, v23  }
0x150: {  	p0 =	sne.s32 s12, $0x10;
	v63 =	vor.u32 s13, v19;
	v21 =	vsub.f32 v44, v21  }
.Ltmp2:
0x151: {  	v22 =	vsub.f32 v61, v22;
	(pc) =	sbr.rel @p0 .LBB2_5-.Ltmp2, $4  }
0x152: {  	v21 =	vmul.f32 v21, v20  }
0x153: {  	v20 =	vmul.f32 v22, v20  }
0x154: {  	[tilespmem:v62+s24+$0x0] =	vst.idx.msk $0xffff, v21  }
0x155: {  	s11 =	sadd.s32 $0x1, s11;
	[tilespmem:v63+s24+$0x0] =	vst.idx.msk $0xffff, v20  }
0x156: {  	v20 =	vld [tilespmem:s6+$0x7CA0];
	_ =	sdelay $0x4  }
0x157: {  	v20 =	vshll.u32 v20, $0x3;
	_ =	sdelay $0x1  }
0x158: {  	v25 =	vld [tilespmem:$0x1FF80];
	_ =	sdelay $0x2  }
0x159: {  	v21 =	vld.idx.msk [tilespmem:v20+s28+$0x0], $0xffff  }
0x15a: {  	v22 =	vor.u32 $0x1, v20;
	_ =	sdelay $0x1  }
0x15b: {  	v44 =	vld [tilespmem:$0x1FF90]  }
0x15c: {  	v23 =	vld [tilespmem:s6+$0x7EA0]  }
0x15d: {  	v24 =	vld [tilespmem:s6+$0x80A0];
	[tilespmem:v25+s24+$0x0] =	vst.idx.msk $0xffff, v21  }
0x15e: {  	v21 =	vld.idx.msk [tilespmem:v22+s28+$0x0], $0xffff  }
0x15f: {  	v43 =	vor.u32 $0x2, v20;
	_ =	sdelay $0x1  }
0x160: {  	v46 =	vld [tilespmem:$0x1FFA0];
	_ =	sdelay $0x1  }
0x161: {  	[tilespmem:v44+s24+$0x0] =	vst.idx.msk $0xffff, v21  }
0x162: {  	v21 =	vld.idx.msk [tilespmem:v43+s28+$0x0], $0xffff  }
0x163: {  	v45 =	vor.u32 $0x3, v20;
	_ =	sdelay $0x1  }
0x164: {  	v48 =	vld [tilespmem:$0x1FFB0];
	_ =	sdelay $0x1  }
0x165: {  	[tilespmem:v46+s24+$0x0] =	vst.idx.msk $0xffff, v21  }
0x166: {  	v21 =	vld.idx.msk [tilespmem:v45+s28+$0x0], $0xffff  }
0x167: {  	v47 =	vor.u32 $0x4, v20;
	_ =	sdelay $0x1  }
0x168: {  	v50 =	vld [tilespmem:$0x1FFC0];
	_ =	sdelay $0x1  }
0x169: {  	[tilespmem:v48+s24+$0x0] =	vst.idx.msk $0xffff, v21  }
0x16a: {  	v21 =	vld.idx.msk [tilespmem:v47+s28+$0x0], $0xffff  }
0x16b: {  	v49 =	vor.u32 $0x5, v20;
	_ =	sdelay $0x1  }
0x16c: {  	v52 =	vld [tilespmem:$0x1FFD0];
	_ =	sdelay $0x1  }
0x16d: {  	[tilespmem:v50+s24+$0x0] =	vst.idx.msk $0xffff, v21  }
0x16e: {  	v21 =	vld.idx.msk [tilespmem:v49+s28+$0x0], $0xffff  }
0x16f: {  	v51 =	vor.u32 $0x6, v20;
	_ =	sdelay $0x1  }
0x170: {  	v53 =	vld [tilespmem:$0x1FFE0];
	_ =	sdelay $0x1  }
0x171: {  	[tilespmem:v52+s24+$0x0] =	vst.idx.msk $0xffff, v21  }
0x172: {  	v21 =	vld.idx.msk [tilespmem:v51+s28+$0x0], $0xffff  }
0x173: {  	v20 =	vor.u32 $0x7, v20;
	_ =	sdelay $0x1  }
0x174: {  	v55 =	vld [tilespmem:$0x1FFF0];
	_ =	sdelay $0x1  }
0x175: {  	[tilespmem:v53+s24+$0x0] =	vst.idx.msk $0xffff, v21  }
0x176: {  	v54 =	vmul.u32 $0x3, v23;
	v20 =	vld.idx.msk [tilespmem:v20+s28+$0x0], $0xffff;
	_ =	sdelay $0x4  }
0x177: {  	[tilespmem:v55+s24+$0x0] =	vst.idx.msk $0xffff, v20  }
0x178: {  	v20 =	vld.idx.msk [tilespmem:v54+s29+$0x0], $0xffff  }
0x179: {  	v56 =	vadd.s32 $0x1, v54;
	_ =	sdelay $0x3  }
0x17a: {  	[tilespmem:v28+s24+$0x0] =	vst.idx.msk $0xffff, v20  }
0x17b: {  	v20 =	vld.idx.msk [tilespmem:v56+s29+$0x0], $0xffff  }
0x17c: {  	v21 =	vadd.s32 $0x2, v54;
	_ =	sdelay $0x3  }
0x17d: {  	[tilespmem:v29+s24+$0x0] =	vst.idx.msk $0xffff, v20  }
0x17e: {  	v20 =	vld.idx.msk [tilespmem:v21+s29+$0x0], $0xffff  }
0x17f: {  	v57 =	vshll.u32 v24, $0x3;
	_ =	sdelay $0x3  }
0x180: {  	[tilespmem:v30+s24+$0x0] =	vst.idx.msk $0xffff, v20  }
0x181: {  	v20 =	vld.idx.msk [tilespmem:v57+s30+$0x0], $0xffff  }
0x182: {  	v58 =	vor.u32 $0x1, v57;
	_ =	sdelay $0x3  }
0x183: {  	[tilespmem:v31+s24+$0x0] =	vst.idx.msk $0xffff, v20  }
0x184: {  	v20 =	vld.idx.msk [tilespmem:v58+s30+$0x0], $0xffff  }
0x185: {  	v59 =	vor.u32 $0x2, v57;
	_ =	sdelay $0x3  }
0x186: {  	[tilespmem:v32+s24+$0x0] =	vst.idx.msk $0xffff, v20  }
0x187: {  	v20 =	vld.idx.msk [tilespmem:v59+s30+$0x0], $0xffff  }
0x188: {  	v60 =	vor.u32 $0x3, v57;
	_ =	sdelay $0x3  }
0x189: {  	[tilespmem:v33+s24+$0x0] =	vst.idx.msk $0xffff, v20  }
0x18a: {  	v20 =	vld.idx.msk [tilespmem:v60+s30+$0x0], $0xffff  }
0x18b: {  	v61 =	vor.u32 $0x4, v57;
	_ =	sdelay $0x3  }
0x18c: {  	[tilespmem:v34+s24+$0x0] =	vst.idx.msk $0xffff, v20  }
0x18d: {  	v20 =	vld.idx.msk [tilespmem:v61+s30+$0x0], $0xffff  }
0x18e: {  	v62 =	vor.u32 $0x5, v57;
	_ =	sdelay $0x3  }
0x18f: {  	[tilespmem:v35+s24+$0x0] =	vst.idx.msk $0xffff, v20  }
0x190: {  	v20 =	vld.idx.msk [tilespmem:v62+s30+$0x0], $0xffff  }
0x191: {  	v63 =	vor.u32 $0x6, v57;
	_ =	sdelay $0x3  }
0x192: {  	[tilespmem:v36+s24+$0x0] =	vst.idx.msk $0xffff, v20  }
0x193: {  	v20 =	vld.idx.msk [tilespmem:v63+s30+$0x0], $0xffff  }
0x194: {  	v21 =	vor.u32 $0x7, v57;
	_ =	sdelay $0x3  }
0x195: {  	[tilespmem:v37+s24+$0x0] =	vst.idx.msk $0xffff, v20  }
0x196: {  	v20 =	vld.idx.msk [tilespmem:v21+s30+$0x0], $0xffff;
	_ =	sdelay $0x4  }
0x197: {  	[tilespmem:v38+s24+$0x0] =	vst.idx.msk $0xffff, v20  }
0x198: {  	v20 =	vld [tilespmem:s6+$0x82A0];
	_ =	sdelay $0x4  }
0x199: {  	[tilespmem:v39+s24+$0x0] =	vst.idx.msk $0xffff, v20  }
0x19a: {  	v20 =	vld [tilespmem:s6+$0x84A0];
	_ =	sdelay $0x4  }
0x19b: {  	[tilespmem:v40+s24+$0x0] =	vst.idx.msk $0xffff, v20  }
0x19c: {  	v20 =	vld [tilespmem:s6+$0x86A0];
	_ =	sdelay $0x2  }
0x19d: {  	s31 =	sadd.s32 $0x1, s31  }
0x19e: {  	s18 =	sshll.u32 s8, $0x5;
	p0 =	sne.s32 s31, $0x20  }
.Ltmp3:
0x19f: {  	s6 =	sadd.s32 s10, s18;
	[tilespmem:v41+s24+$0x0] =	vst.idx.msk $0xffff, v20;
	(pc) =	sbr.rel @p0 .LBB2_4-.Ltmp3, $4  }
0x1a0: {  	[hbm4b:s6+s2] =	stream.linear.scatter [tilespmem:s24], [sflag:$0x5], $0x1000, $0x38;
	[tilespmem:$0x1C318] =	vst v63  }
0x1a1: {  	_ =	swait.ge [sflag:s20], $0x1000  }
0x1a2: {  	[sflag:s20] =	ssyncset.done $0x0  }
0x1a3: {  	[sflag:s20] =	ssyncadd.s32 $0xFFFFF000  }
0x1a4: {  	s25 =	sadd.s32 $0x1, s25;
	s6 =	rddreg [dreg:$0x13]  }
0x1a5: {  	p0 =	sne.s32 s25, s6  }
.Ltmp4:
0x1a6: {  	_ = 	snop;
	(pc) =	sbr.rel @p0 .LBB2_1-.Ltmp4, $1  }
0x1a7: {  	_ =	sdelay $0x3  }
0x1a8: {  	_ =	sfence.sel $0x180000  }
0x1a9: {  	[bflag:$0x0] =	sbarrier.arrive $0xFFFF  }
0x1aa: {  	_ =	strace $0x90000047  }
0x1ab: {  	s0 =	stileid.u32;
	[bflag:$0x2] =	sbarrier.arrive $0xFFFF  }
0x1ac: {  	p0 =	sne.s32 s0, $0x0;
	s0 =	rddreg [dreg:$0x9]  }
0x1ad: {  	s0 =	sadd.s32 @!p0 $0x100000, s0  }
0x1ae: {  	[sflag:s0] =	ssyncadd.tile.s32 @!p0 $0x1;
	_ =	shalt  }
.Lfunc_end2:
_tile_overlayer_lowered:
.L_overlay_start_2:
0x1af: {  	(tag) =	ssettag $0x2  }
0x1b0: {  	s0 =	rddreg [dreg:$0x0];
	s2 =	stileid.u32  }
0x1b1: {  	s1 =	rddreg [dreg:$0x1];
	p0 =	sne.s32 s2, $0x0  }
0x1b2: {  	s3 =	rddreg [dreg:$0x2];
	[bflag:$0x3] =	sbarrier.arrive $0xFFFF;
	s2 =	simm.s32 @!p0 $0x1C05  }
0x1b3: {  	[timem:s3], [sflag:s2] =	dma.local @!p0 [hbm:s0], s1  }
0x1b4: {  	s0 =	simm.s32 @!p0 $0x5  }
0x1b5: {  	_ =	swait.ge @!p0 [sflag:s0], s1  }
0x1b6: {  	s1 =	ssub.s32 @!p0 $0x0, s1;
	[sflag:s0] =	ssyncset.done @!p0 $0x0  }
0x1b7: {  	[sflag:s0] =	ssyncadd.s32 @!p0 s1  }
0x1b8: {  	[bflag:$0x3] =	sbarrier.arrive $0xFFFF  }
0x1b9: {  	_ =	shalt  }

</sc_bundles>
